<compile_context>
chip_gen: v7x
topology: tpu7x:2x2x1
jax: 0.10.2.dev20260603
libtpu: 0.0.44.dev20260713+nightly
codegen_flags: <defaults>
</compile_context>

<pallas_src>
import functools

import jax
import jax.numpy as jnp
from jax.experimental import pallas as pl

N = 10000
VAR = 4
NIN = 256
NZ = 100
NC = 10

_BM_AE = 1000
_BM_G = 400


def _mm(a, b):
    return jax.lax.dot_general(a, b, (((1,), (0,)), ((), ())),
                               preferred_element_type=jnp.float32)


def _shift_right(v):
    return jnp.concatenate([jnp.zeros((v.shape[0], 1), v.dtype), v[:, :-1]], axis=1)


def _shift_left(v):
    return jnp.concatenate([v[:, 1:], jnp.zeros((v.shape[0], 1), v.dtype)], axis=1)


def _ae_body(x_ref, eps_ref, c0w_ref, c0b_ref, c1w_ref, c1b_ref,
             f1w_ref, f1b_ref, f2w_ref, f2b_ref, f31w_ref, f31b_ref,
             f21w_ref, f21b_ref, f22w_ref, f22b_ref,
             f3w_ref, f3b_ref, f32w_ref, f32b_ref, f4w_ref, f4b_ref,
             g1w_ref,
             out0_ref, mu_ref, logvar_ref, s1_ref):
    x = x_ref[...]
    pro = jnp.broadcast_to(c0b_ref[0:1, 0:1], (x.shape[0], NIN)).astype(jnp.float32)
    for c in range(VAR):
        xc = x[:, c * NIN:(c + 1) * NIN]
        pro = pro + c0w_ref[c:c + 1, 0:1] * _shift_right(xc)
        pro = pro + c0w_ref[c:c + 1, 1:2] * xc
        pro = pro + c0w_ref[c:c + 1, 2:3] * _shift_left(xc)
    h1 = jax.nn.relu(_mm(pro, f1w_ref[...]) + f1b_ref[...])
    h2 = jax.nn.relu(_mm(h1, f2w_ref[...]) + f2b_ref[...])
    h3 = jax.nn.relu(_mm(h2, f31w_ref[...]) + f31b_ref[...])
    mu = _mm(h3, f21w_ref[...]) + f21b_ref[...]
    logvar = _mm(h3, f22w_ref[...]) + f22b_ref[...]
    std = jnp.exp(0.5 * logvar)
    z = eps_ref[...] * std + mu
    d3 = jax.nn.relu(_mm(z, f3w_ref[...]) + f3b_ref[...])
    d4 = jax.nn.relu(_mm(d3, f32w_ref[...]) + f32b_ref[...])
    recon = jax.nn.sigmoid(_mm(d4, f4w_ref[...]) + f4b_ref[...])
    for co in range(VAR):
        o = c1b_ref[0:1, co:co + 1] + c1w_ref[co:co + 1, 1:2] * recon
        o = o + c1w_ref[co:co + 1, 0:1] * _shift_right(recon)
        o = o + c1w_ref[co:co + 1, 2:3] * _shift_left(recon)
        out0_ref[:, co * NIN:(co + 1) * NIN] = o
    mu_ref[...] = mu
    logvar_ref[...] = logvar
    s1_ref[...] = _mm(pro, g1w_ref[...])


def _gnn_body(adj_ref, s_ref, w_ref, b_ref, out_ref, *, act, last):
    h = _mm(adj_ref[...], s_ref[...])
    if act:
        h = jax.nn.relu(h)
    y = _mm(h, w_ref[...])
    if last:
        logits = y + b_ref[...]
        m = jnp.max(logits, axis=1, keepdims=True)
        e = jnp.exp(logits - m)
        out_ref[...] = e / jnp.sum(e, axis=1, keepdims=True)
    else:
        out_ref[...] = y


def _full_spec(shape):
    nd = len(shape)
    return pl.BlockSpec(shape, lambda i, _n=nd: (0,) * _n)


def _gnn_layer(adj, s, w, b, *, act, last):
    nb = N // _BM_G
    out_cols = NC if last else s.shape[1]
    body = functools.partial(_gnn_body, act=act, last=last)
    return pl.pallas_call(
        body,
        grid=(nb,),
        in_specs=[
            pl.BlockSpec((_BM_G, N), lambda i: (i, 0)),
            _full_spec(s.shape),
            _full_spec(w.shape),
            _full_spec(b.shape),
        ],
        out_specs=pl.BlockSpec((_BM_G, out_cols), lambda i: (i, 0)),
        out_shape=jax.ShapeDtypeStruct((N, out_cols), jnp.float32),
    )(adj, s, w, b)


def kernel(x, adj, eps, conv0_w, conv0_b, fc1_w, fc1_b, fc2_w, fc2_b,
           fc31_w, fc31_b, fc21_w, fc21_b, fc22_w, fc22_b, fc3_w, fc3_b,
           fc32_w, fc32_b, fc4_w, fc4_b, conv1_w, conv1_b,
           g1_w, g3_w, g4_w, g5_w, fcc_w, fcc_b):
    f32 = jnp.float32
    x2 = x.reshape(N, VAR * NIN)
    c0w = conv0_w.reshape(VAR, 3)
    c0b = conv0_b.reshape(1, 1)
    c1w = conv1_w.reshape(VAR, 3)
    c1b = conv1_b.reshape(1, VAR)
    biases = dict(
        f1b=fc1_b.reshape(1, -1), f2b=fc2_b.reshape(1, -1),
        f31b=fc31_b.reshape(1, -1), f21b=fc21_b.reshape(1, -1),
        f22b=fc22_b.reshape(1, -1), f3b=fc3_b.reshape(1, -1),
        f32b=fc32_b.reshape(1, -1), f4b=fc4_b.reshape(1, -1),
    )

    nb = N // _BM_AE
    ae_inputs = (x2, eps, c0w, c0b, c1w, c1b,
                 fc1_w, biases['f1b'], fc2_w, biases['f2b'],
                 fc31_w, biases['f31b'], fc21_w, biases['f21b'],
                 fc22_w, biases['f22b'], fc3_w, biases['f3b'],
                 fc32_w, biases['f32b'], fc4_w, biases['f4b'], g1_w)
    in_specs = [
        pl.BlockSpec((_BM_AE, VAR * NIN), lambda i: (i, 0)),
        pl.BlockSpec((_BM_AE, NZ), lambda i: (i, 0)),
    ] + [_full_spec(a.shape) for a in ae_inputs[2:]]
    out_specs = [
        pl.BlockSpec((_BM_AE, VAR * NIN), lambda i: (i, 0)),
        pl.BlockSpec((_BM_AE, NZ), lambda i: (i, 0)),
        pl.BlockSpec((_BM_AE, NZ), lambda i: (i, 0)),
        pl.BlockSpec((_BM_AE, NZ), lambda i: (i, 0)),
    ]
    out_shape = [
        jax.ShapeDtypeStruct((N, VAR * NIN), f32),
        jax.ShapeDtypeStruct((N, NZ), f32),
        jax.ShapeDtypeStruct((N, NZ), f32),
        jax.ShapeDtypeStruct((N, NZ), f32),
    ]
    out0_flat, mu, logvar, s1 = pl.pallas_call(
        _ae_body,
        grid=(nb,),
        in_specs=in_specs,
        out_specs=out_specs,
        out_shape=out_shape,
    )(*ae_inputs)

    dummy_b = jnp.zeros((1, 1), f32)
    s2 = _gnn_layer(adj, s1, g3_w, dummy_b, act=True, last=False)
    s3 = _gnn_layer(adj, s2, g4_w, dummy_b, act=True, last=False)
    s4 = _gnn_layer(adj, s3, g5_w, dummy_b, act=False, last=False)
    predict = _gnn_layer(adj, s4, fcc_w, fcc_b.reshape(1, NC), act=False,
                         last=True)

    out0 = out0_flat.reshape(N, VAR, NIN)
    return (out0, predict, mu, logvar)

# --- scband reference (transcript-rebuilt; emitter-appended) ---
"""Pipeline reference for scband-sdcn-45535243272751 (READ-ONLY COPY).

The authoritative reference and input builder live on the scoring server;
editing this copy changes nothing except your own understanding.
"""

import jax, jax.numpy as jnp
import numpy as np

N = 10000
VAR = 4
NIN = 256
NZ = 100
NC = 10


def _conv1d(x, w, b):
    out = jax.lax.conv_general_dilated(x, w, window_strides=(1,), padding=((1, 1),), dimension_numbers=('NCH', 'OIH', 'NCH'))
    return out + b[None, :, None]


def _forward(x, adj, eps, conv0_w, conv0_b, fc1_w, fc1_b, fc2_w, fc2_b, fc31_w, fc31_b, fc21_w, fc21_b, fc22_w, fc22_b, fc3_w, fc3_b, fc32_w, fc32_b, fc4_w, fc4_b, conv1_w, conv1_b, g1_w, g3_w, g4_w, g5_w, fcc_w, fcc_b):
    # conv0: Conv1d(variable_num -> 1, k=3, pad=1), then squeeze channel dim
    pro_x = _conv1d(x, conv0_w, conv0_b)[:, 0, :]
    # AE.encode
    h1 = jax.nn.relu(pro_x @ fc1_w + fc1_b)
    h2 = jax.nn.relu(h1 @ fc2_w + fc2_b)
    h3 = jax.nn.relu(h2 @ fc31_w + fc31_b)
    mu = h3 @ fc21_w + fc21_b
    logvar = h3 @ fc22_w + fc22_b
    # reparametrize (eps passed in for determinism)
    std = jnp.exp(0.5 * logvar)
    z = eps * std + mu
    # AE.decode
    d3 = jax.nn.relu(z @ fc3_w + fc3_b)
    d4 = jax.nn.relu(d3 @ fc32_w + fc32_b)
    recon = jax.nn.sigmoid(d4 @ fc4_w + fc4_b)
    # GNN stack (SDCN GNNLayer: out = adj @ (x @ W), relu if active); sigma = 0
    h = jax.nn.relu(adj @ (pro_x @ g1_w))
    h = jax.nn.relu(adj @ (h @ g3_w))
    h = adj @ (h @ g4_w)
    h = adj @ (h @ g5_w)
    # dropout(p=0.5) is identity in eval/reference mode
    logits = h @ fcc_w + fcc_b
    predict = jax.nn.softmax(logits, axis=1)
    out0 = _conv1d(recon[:, None, :], conv1_w, conv1_b)
    return (out0, predict, mu, logvar)


def setup_inputs(seed: int = 0):
    key = jax.random.key(seed)
    ks = jax.random.split(key, 32)

    def lin(k, fi, fo):
        return (jax.random.normal(k, (fi, fo), dtype=jnp.float32) / np.sqrt(fi)).astype(jnp.float32)

    inp = {}
    inp['x'] = jax.random.normal(ks[0], (N, VAR, NIN), dtype=jnp.float32)
    inp['adj'] = jax.random.uniform(ks[1], (N, N), dtype=jnp.float32)
    inp['eps'] = jax.random.normal(ks[2], (N, NZ), dtype=jnp.float32)
    inp['conv0_w'] = (jax.random.normal(ks[3], (1, VAR, 3), dtype=jnp.float32) / np.sqrt(VAR * 3)).astype(jnp.float32)
    inp['conv0_b'] = jnp.zeros((1,), dtype=jnp.float32)
    inp['fc1_w'] = lin(ks[4], NIN, 500)
    inp['fc1_b'] = jnp.zeros((500,), dtype=jnp.float32)
    inp['fc2_w'] = lin(ks[5], 500, 500)
    inp['fc2_b'] = jnp.zeros((500,), dtype=jnp.float32)
    inp['fc31_w'] = lin(ks[6], 500, 500)
    inp['fc31_b'] = jnp.zeros((500,), dtype=jnp.float32)
    inp['fc21_w'] = lin(ks[7], 500, NZ)
    inp['fc21_b'] = jnp.zeros((NZ,), dtype=jnp.float32)
    inp['fc22_w'] = lin(ks[8], 500, NZ)
    inp['fc22_b'] = jnp.zeros((NZ,), dtype=jnp.float32)
    inp['fc3_w'] = lin(ks[9], NZ, 500)
    inp['fc3_b'] = jnp.zeros((500,), dtype=jnp.float32)
    inp['fc32_w'] = lin(ks[10], 500, 500)
    inp['fc32_b'] = jnp.zeros((500,), dtype=jnp.float32)
    inp['fc4_w'] = lin(ks[11], 500, NIN)
    inp['fc4_b'] = jnp.zeros((NIN,), dtype=jnp.float32)
    inp['conv1_w'] = (jax.random.normal(ks[12], (VAR, 1, 3), dtype=jnp.float32) / np.sqrt(3)).astype(jnp.float32)
    inp['conv1_b'] = jnp.zeros((VAR,), dtype=jnp.float32)
    inp['g1_w'] = lin(ks[13], NIN, NZ)
    inp['g3_w'] = lin(ks[14], NZ, NZ)
    inp['g4_w'] = lin(ks[15], NZ, NZ)
    inp['g5_w'] = lin(ks[16], NZ, NZ)
    inp['fcc_w'] = lin(ks[17], NZ, NC)
    inp['fcc_b'] = jnp.zeros((NC,), dtype=jnp.float32)
    return inp


def reference(x, adj, eps, conv0_w, conv0_b, fc1_w, fc1_b, fc2_w, fc2_b, fc31_w, fc31_b, fc21_w, fc21_b, fc22_w, fc22_b, fc3_w, fc3_b, fc32_w, fc32_b, fc4_w, fc4_b, conv1_w, conv1_b, g1_w, g3_w, g4_w, g5_w, fcc_w, fcc_b):
    return _forward(x, adj, eps, conv0_w, conv0_b, fc1_w, fc1_b, fc2_w, fc2_b, fc31_w, fc31_b, fc21_w, fc21_b, fc22_w, fc22_b, fc3_w, fc3_b, fc32_w, fc32_b, fc4_w, fc4_b, conv1_w, conv1_b, g1_w, g3_w, g4_w, g5_w, fcc_w, fcc_b)

if __name__ == "__main__":
    import jax
    _d = setup_inputs()
    print(jax.jit(kernel)(*tuple(_d.values())))

</pallas_src>

<mosaic_0001>
module attributes {stable_mosaic.version = 14 : i64} {
  func.func @_gnn_body(%arg0: i32, %arg1: memref<400x10000xf32, #tpu.memory_space<vmem>>, %arg2: memref<10000x100xf32, #tpu.memory_space<vmem>>, %arg3: memref<100x100xf32, #tpu.memory_space<vmem>>, %arg4: memref<1x1xf32, #tpu.memory_space<vmem>>, %arg5: memref<400x100xf32, #tpu.memory_space<vmem>>) attributes {dimension_semantics = [#tpu.dimension_semantics<arbitrary>], iteration_bounds = array<i64: 25>, scalar_prefetch = 0 : i64, scratch_operands = 0 : i64, tpu.core_type = #tpu.core_type<tc>, window_params = [{transform_indices = @transform_0, window_bounds = array<i64: 400, 10000>}, {pipeline_mode = #tpu.pipeline_mode<synchronous>, transform_indices = @transform_1, window_bounds = array<i64: 10000, 100>}, {pipeline_mode = #tpu.pipeline_mode<synchronous>, transform_indices = @transform_2, window_bounds = array<i64: 100, 100>}, {pipeline_mode = #tpu.pipeline_mode<synchronous>, transform_indices = @transform_3, window_bounds = array<i64: 1, 1>}, {transform_indices = @transform_4, window_bounds = array<i64: 400, 100>}]} {
    %get3A = arith.constant 0 : index
    %get3A_0 = arith.constant 0 : index
    %get3A_1 = vector.load %arg1[%get3A, %get3A_0] : memref<400x10000xf32, #tpu.memory_space<vmem>>, vector<400x10000xf32>
    %get3A_2 = arith.constant 0 : index
    %get3A_3 = arith.constant 0 : index
    %get3A_4 = vector.load %arg2[%get3A_2, %get3A_3] : memref<10000x100xf32, #tpu.memory_space<vmem>>, vector<10000x100xf32>
    %dot_general3A = arith.constant dense<0.000000e+00> : vector<400x100xf32>
    %dot_general3A_5 = tpu.matmul %get3A_1, %get3A_4, %dot_general3A {dimension_numbers = #tpu.dot_dimension_numbers<[1], [0], [0], [1], [0, 0, 1, 1], [], []>, transpose_lhs_hint = false} : vector<400x10000xf32>, vector<10000x100xf32>, vector<400x100xf32> -> vector<400x100xf32>
    %max3A = arith.constant 0.000000e+00 : f32
    %max3A_6 = vector.broadcast %max3A : f32 to vector<400x100xf32>
    %max3A_7 = arith.maximumf %dot_general3A_5, %max3A_6 : vector<400x100xf32>
    %get3A_8 = arith.constant 0 : index
    %get3A_9 = arith.constant 0 : index
    %get3A_10 = vector.load %arg3[%get3A_8, %get3A_9] : memref<100x100xf32, #tpu.memory_space<vmem>>, vector<100x100xf32>
    %dot_general3A_11 = arith.constant dense<0.000000e+00> : vector<400x100xf32>
    %dot_general3A_12 = tpu.matmul %max3A_7, %get3A_10, %dot_general3A_11 {dimension_numbers = #tpu.dot_dimension_numbers<[1], [0], [0], [1], [0, 0, 1, 1], [], []>, transpose_lhs_hint = false} : vector<400x100xf32>, vector<100x100xf32>, vector<400x100xf32> -> vector<400x100xf32>
    %swap3A = arith.constant 0 : index
    %swap3A_13 = arith.constant 0 : index
    %swap3A_14 = vector.load %arg5[%swap3A, %swap3A_13] : memref<400x100xf32, #tpu.memory_space<vmem>>, vector<400x100xf32>
    tpu.vector_store %arg5[%swap3A, %swap3A_13], %dot_general3A_12 {strides = array<i32>} : memref<400x100xf32, #tpu.memory_space<vmem>>, vector<400x100xf32>,
    return
  }
  func.func @transform_0(%arg0: i32) -> (i32, i32) {
    %c0_i32 = arith.constant 0 : i32
    %c0_i32_0 = arith.constant 0 : i32
    return %arg0, %c0_i32 : i32, i32
  }
  func.func @transform_1(%arg0: i32) -> (i32, i32) {
    %c0_i32 = arith.constant 0 : i32
    %c0_i32_0 = arith.constant 0 : i32
    %c0_i32_1 = arith.constant 0 : i32
    return %c0_i32, %c0_i32_0 : i32, i32
  }
  func.func @transform_2(%arg0: i32) -> (i32, i32) {
    %c0_i32 = arith.constant 0 : i32
    %c0_i32_0 = arith.constant 0 : i32
    %c0_i32_1 = arith.constant 0 : i32
    return %c0_i32, %c0_i32_0 : i32, i32
  }
  func.func @transform_3(%arg0: i32) -> (i32, i32) {
    %c0_i32 = arith.constant 0 : i32
    %c0_i32_0 = arith.constant 0 : i32
    %c0_i32_1 = arith.constant 0 : i32
    return %c0_i32, %c0_i32_0 : i32, i32
  }
  func.func @transform_4(%arg0: i32) -> (i32, i32) {
    %c0_i32 = arith.constant 0 : i32
    %c0_i32_0 = arith.constant 0 : i32
    return %arg0, %c0_i32 : i32, i32
  }
}

module attributes {stable_mosaic.version = 14 : i64} {
  func.func @_ae_body(%arg0: i32, %arg1: memref<1000x1024xf32, #tpu.memory_space<vmem>>, %arg2: memref<1000x100xf32, #tpu.memory_space<vmem>>, %arg3: memref<4x3xf32, #tpu.memory_space<vmem>>, %arg4: memref<1x1xf32, #tpu.memory_space<vmem>>, %arg5: memref<4x3xf32, #tpu.memory_space<vmem>>, %arg6: memref<1x4xf32, #tpu.memory_space<vmem>>, %arg7: memref<256x500xf32, #tpu.memory_space<vmem>>, %arg8: memref<1x500xf32, #tpu.memory_space<vmem>>, %arg9: memref<500x500xf32, #tpu.memory_space<vmem>>, %arg10: memref<1x500xf32, #tpu.memory_space<vmem>>, %arg11: memref<500x500xf32, #tpu.memory_space<vmem>>, %arg12: memref<1x500xf32, #tpu.memory_space<vmem>>, %arg13: memref<500x100xf32, #tpu.memory_space<vmem>>, %arg14: memref<1x100xf32, #tpu.memory_space<vmem>>, %arg15: memref<500x100xf32, #tpu.memory_space<vmem>>, %arg16: memref<1x100xf32, #tpu.memory_space<vmem>>, %arg17: memref<100x500xf32, #tpu.memory_space<vmem>>, %arg18: memref<1x500xf32, #tpu.memory_space<vmem>>, %arg19: memref<500x500xf32, #tpu.memory_space<vmem>>, %arg20: memref<1x500xf32, #tpu.memory_space<vmem>>, %arg21: memref<500x256xf32, #tpu.memory_space<vmem>>, %arg22: memref<1x256xf32, #tpu.memory_space<vmem>>, %arg23: memref<256x100xf32, #tpu.memory_space<vmem>>, %arg24: memref<1000x1024xf32, #tpu.memory_space<vmem>>, %arg25: memref<1000x100xf32, #tpu.memory_space<vmem>>, %arg26: memref<1000x100xf32, #tpu.memory_space<vmem>>, %arg27: memref<1000x100xf32, #tpu.memory_space<vmem>>) attributes {dimension_semantics = [#tpu.dimension_semantics<arbitrary>], iteration_bounds = array<i64: 10>, scalar_prefetch = 0 : i64, scratch_operands = 0 : i64, tpu.core_type = #tpu.core_type<tc>, window_params = [{transform_indices = @transform_0, window_bounds = array<i64: 1000, 1024>}, {transform_indices = @transform_1, window_bounds = array<i64: 1000, 100>}, {pipeline_mode = #tpu.pipeline_mode<synchronous>, transform_indices = @transform_2, window_bounds = array<i64: 4, 3>}, {pipeline_mode = #tpu.pipeline_mode<synchronous>, transform_indices = @transform_3, window_bounds = array<i64: 1, 1>}, {pipeline_mode = #tpu.pipeline_mode<synchronous>, transform_indices = @transform_4, window_bounds = array<i64: 4, 3>}, {pipeline_mode = #tpu.pipeline_mode<synchronous>, transform_indices = @transform_5, window_bounds = array<i64: 1, 4>}, {pipeline_mode = #tpu.pipeline_mode<synchronous>, transform_indices = @transform_6, window_bounds = array<i64: 256, 500>}, {pipeline_mode = #tpu.pipeline_mode<synchronous>, transform_indices = @transform_7, window_bounds = array<i64: 1, 500>}, {pipeline_mode = #tpu.pipeline_mode<synchronous>, transform_indices = @transform_8, window_bounds = array<i64: 500, 500>}, {pipeline_mode = #tpu.pipeline_mode<synchronous>, transform_indices = @transform_9, window_bounds = array<i64: 1, 500>}, {pipeline_mode = #tpu.pipeline_mode<synchronous>, transform_indices = @transform_10, window_bounds = array<i64: 500, 500>}, {pipeline_mode = #tpu.pipeline_mode<synchronous>, transform_indices = @transform_11, window_bounds = array<i64: 1, 500>}, {pipeline_mode = #tpu.pipeline_mode<synchronous>, transform_indices = @transform_12, window_bounds = array<i64: 500, 100>}, {pipeline_mode = #tpu.pipeline_mode<synchronous>, transform_indices = @transform_13, window_bounds = array<i64: 1, 100>}, {pipeline_mode = #tpu.pipeline_mode<synchronous>, transform_indices = @transform_14, window_bounds = array<i64: 500, 100>}, {pipeline_mode = #tpu.pipeline_mode<synchronous>, transform_indices = @transform_15, window_bounds = array<i64: 1, 100>}, {pipeline_mode = #tpu.pipeline_mode<synchronous>, transform_indices = @transform_16, window_bounds = array<i64: 100, 500>}, {pipeline_mode = #tpu.pipeline_mode<synchronous>, transform_indices = @transform_17, window_bounds = array<i64: 1, 500>}, {pipeline_mode = #tpu.pipeline_mode<synchronous>, transform_indices = @transform_18, window_bounds = array<i64: 500, 500>}, {pipeline_mode = #tpu.pipeline_mode<synchronous>, transform_indices = @transform_19, window_bounds = array<i64: 1, 500>}, {pipeline_mode = #tpu.pipeline_mode<synchronous>, transform_indices = @transform_20, window_bounds = array<i64: 500, 256>}, {pipeline_mode = #tpu.pipeline_mode<synchronous>, transform_indices = @transform_21, window_bounds = array<i64: 1, 256>}, {pipeline_mode = #tpu.pipeline_mode<synchronous>, transform_indices = @transform_22, window_bounds = array<i64: 256, 100>}, {transform_indices = @transform_23, window_bounds = array<i64: 1000, 1024>}, {transform_indices = @transform_24, window_bounds = array<i64: 1000, 100>}, {transform_indices = @transform_25, window_bounds = array<i64: 1000, 100>}, {transform_indices = @transform_26, window_bounds = array<i64: 1000, 100>}]} {
    %get3A = arith.constant 0 : index
    %get3A_0 = arith.constant 0 : index
    %get3A_1 = vector.load %arg1[%get3A, %get3A_0] : memref<1000x1024xf32, #tpu.memory_space<vmem>>, vector<1000x1024xf32>
    %get3A_2 = arith.constant 0 : index
    %get3A_3 = arith.constant 0 : index
    %get3A_4 = vector.load %arg4[%get3A_2, %get3A_3] : memref<1x1xf32, #tpu.memory_space<vmem>>, vector<1x1xf32>
    %broadcast_in_dim3A = vector.shape_cast %get3A_4 : vector<1x1xf32> to vector<1x1xf32>
    %broadcast_in_dim3A_5 = vector.broadcast %broadcast_in_dim3A : vector<1x1xf32> to vector<1000x256xf32>
    %slice3A = vector.extract_strided_slice %get3A_1 {offsets = [0, 0], sizes = [1000, 256], strides = [1, 1]} : vector<1000x1024xf32> to vector<1000x256xf32>
    %get3A_6 = arith.constant 0 : index
    %get3A_7 = arith.constant 0 : index
    %get3A_8 = vector.load %arg3[%get3A_6, %get3A_7] : memref<4x3xf32, #tpu.memory_space<vmem>>, vector<1x1xf32>
    %broadcast_in_dim3A_9 = arith.constant 0.000000e+00 : f32
    %broadcast_in_dim3A_10 = vector.broadcast %broadcast_in_dim3A_9 : f32 to vector<1000x1xf32>
    %slice3A_11 = vector.extract_strided_slice %slice3A {offsets = [0, 0], sizes = [1000, 255], strides = [1, 1]} : vector<1000x256xf32> to vector<1000x255xf32>
    %concatenate3A = tpu.concatenate %broadcast_in_dim3A_10, %slice3A_11 in 1 : vector<1000x1xf32>, vector<1000x255xf32> -> vector<1000x256xf32>
    %mul3A = vector.broadcast %get3A_8 : vector<1x1xf32> to vector<1000x256xf32>
    %mul3A_12 = arith.mulf %mul3A, %concatenate3A : vector<1000x256xf32>
    %add3A = arith.addf %broadcast_in_dim3A_5, %mul3A_12 : vector<1000x256xf32>
    %get3A_13 = arith.constant 0 : index
    %get3A_14 = arith.constant 1 : index
    %get3A_15 = vector.load %arg3[%get3A_13, %get3A_14] : memref<4x3xf32, #tpu.memory_space<vmem>>, vector<1x1xf32>
    %mul3A_16 = vector.broadcast %get3A_15 : vector<1x1xf32> to vector<1000x256xf32>
    %mul3A_17 = arith.mulf %mul3A_16, %slice3A : vector<1000x256xf32>
    %add3A_18 = arith.addf %add3A, %mul3A_17 : vector<1000x256xf32>
    %get3A_19 = arith.constant 0 : index
    %get3A_20 = arith.constant 2 : index
    %get3A_21 = vector.load %arg3[%get3A_19, %get3A_20] : memref<4x3xf32, #tpu.memory_space<vmem>>, vector<1x1xf32>
    %slice3A_22 = vector.extract_strided_slice %slice3A {offsets = [0, 1], sizes = [1000, 255], strides = [1, 1]} : vector<1000x256xf32> to vector<1000x255xf32>
    %broadcast_in_dim3A_23 = arith.constant 0.000000e+00 : f32
    %broadcast_in_dim3A_24 = vector.broadcast %broadcast_in_dim3A_23 : f32 to vector<1000x1xf32>
    %concatenate3A_25 = tpu.concatenate %slice3A_22, %broadcast_in_dim3A_24 in 1 : vector<1000x255xf32>, vector<1000x1xf32> -> vector<1000x256xf32>
    %mul3A_26 = vector.broadcast %get3A_21 : vector<1x1xf32> to vector<1000x256xf32>
    %mul3A_27 = arith.mulf %mul3A_26, %concatenate3A_25 : vector<1000x256xf32>
    %add3A_28 = arith.addf %add3A_18, %mul3A_27 : vector<1000x256xf32>
    %slice3A_29 = vector.extract_strided_slice %get3A_1 {offsets = [0, 256], sizes = [1000, 256], strides = [1, 1]} : vector<1000x1024xf32> to vector<1000x256xf32>
    %get3A_30 = arith.constant 1 : index
    %get3A_31 = arith.constant 0 : index
    %get3A_32 = vector.load %arg3[%get3A_30, %get3A_31] : memref<4x3xf32, #tpu.memory_space<vmem>>, vector<1x1xf32>
    %broadcast_in_dim3A_33 = arith.constant 0.000000e+00 : f32
    %broadcast_in_dim3A_34 = vector.broadcast %broadcast_in_dim3A_33 : f32 to vector<1000x1xf32>
    %slice3A_35 = vector.extract_strided_slice %slice3A_29 {offsets = [0, 0], sizes = [1000, 255], strides = [1, 1]} : vector<1000x256xf32> to vector<1000x255xf32>
    %concatenate3A_36 = tpu.concatenate %broadcast_in_dim3A_34, %slice3A_35 in 1 : vector<1000x1xf32>, vector<1000x255xf32> -> vector<1000x256xf32>
    %mul3A_37 = vector.broadcast %get3A_32 : vector<1x1xf32> to vector<1000x256xf32>
    %mul3A_38 = arith.mulf %mul3A_37, %concatenate3A_36 : vector<1000x256xf32>
    %add3A_39 = arith.addf %add3A_28, %mul3A_38 : vector<1000x256xf32>
    %get3A_40 = arith.constant 1 : index
    %get3A_41 = arith.constant 1 : index
    %get3A_42 = vector.load %arg3[%get3A_40, %get3A_41] : memref<4x3xf32, #tpu.memory_space<vmem>>, vector<1x1xf32>
    %mul3A_43 = vector.broadcast %get3A_42 : vector<1x1xf32> to vector<1000x256xf32>
    %mul3A_44 = arith.mulf %mul3A_43, %slice3A_29 : vector<1000x256xf32>
    %add3A_45 = arith.addf %add3A_39, %mul3A_44 : vector<1000x256xf32>
    %get3A_46 = arith.constant 1 : index
    %get3A_47 = arith.constant 2 : index
    %get3A_48 = vector.load %arg3[%get3A_46, %get3A_47] : memref<4x3xf32, #tpu.memory_space<vmem>>, vector<1x1xf32>
    %slice3A_49 = vector.extract_strided_slice %slice3A_29 {offsets = [0, 1], sizes = [1000, 255], strides = [1, 1]} : vector<1000x256xf32> to vector<1000x255xf32>
    %broadcast_in_dim3A_50 = arith.constant 0.000000e+00 : f32
    %broadcast_in_dim3A_51 = vector.broadcast %broadcast_in_dim3A_50 : f32 to vector<1000x1xf32>
    %concatenate3A_52 = tpu.concatenate %slice3A_49, %broadcast_in_dim3A_51 in 1 : vector<1000x255xf32>, vector<1000x1xf32> -> vector<1000x256xf32>
    %mul3A_53 = vector.broadcast %get3A_48 : vector<1x1xf32> to vector<1000x256xf32>
    %mul3A_54 = arith.mulf %mul3A_53, %concatenate3A_52 : vector<1000x256xf32>
    %add3A_55 = arith.addf %add3A_45, %mul3A_54 : vector<1000x256xf32>
    %slice3A_56 = vector.extract_strided_slice %get3A_1 {offsets = [0, 512], sizes = [1000, 256], strides = [1, 1]} : vector<1000x1024xf32> to vector<1000x256xf32>
    %get3A_57 = arith.constant 2 : index
    %get3A_58 = arith.constant 0 : index
    %get3A_59 = vector.load %arg3[%get3A_57, %get3A_58] : memref<4x3xf32, #tpu.memory_space<vmem>>, vector<1x1xf32>
    %broadcast_in_dim3A_60 = arith.constant 0.000000e+00 : f32
    %broadcast_in_dim3A_61 = vector.broadcast %broadcast_in_dim3A_60 : f32 to vector<1000x1xf32>
    %slice3A_62 = vector.extract_strided_slice %slice3A_56 {offsets = [0, 0], sizes = [1000, 255], strides = [1, 1]} : vector<1000x256xf32> to vector<1000x255xf32>
    %concatenate3A_63 = tpu.concatenate %broadcast_in_dim3A_61, %slice3A_62 in 1 : vector<1000x1xf32>, vector<1000x255xf32> -> vector<1000x256xf32>
    %mul3A_64 = vector.broadcast %get3A_59 : vector<1x1xf32> to vector<1000x256xf32>
    %mul3A_65 = arith.mulf %mul3A_64, %concatenate3A_63 : vector<1000x256xf32>
    %add3A_66 = arith.addf %add3A_55, %mul3A_65 : vector<1000x256xf32>
    %get3A_67 = arith.constant 2 : index
    %get3A_68 = arith.constant 1 : index
    %get3A_69 = vector.load %arg3[%get3A_67, %get3A_68] : memref<4x3xf32, #tpu.memory_space<vmem>>, vector<1x1xf32>
    %mul3A_70 = vector.broadcast %get3A_69 : vector<1x1xf32> to vector<1000x256xf32>
    %mul3A_71 = arith.mulf %mul3A_70, %slice3A_56 : vector<1000x256xf32>
    %add3A_72 = arith.addf %add3A_66, %mul3A_71 : vector<1000x256xf32>
    %get3A_73 = arith.constant 2 : index
    %get3A_74 = arith.constant 2 : index
    %get3A_75 = vector.load %arg3[%get3A_73, %get3A_74] : memref<4x3xf32, #tpu.memory_space<vmem>>, vector<1x1xf32>
    %slice3A_76 = vector.extract_strided_slice %slice3A_56 {offsets = [0, 1], sizes = [1000, 255], strides = [1, 1]} : vector<1000x256xf32> to vector<1000x255xf32>
    %broadcast_in_dim3A_77 = arith.constant 0.000000e+00 : f32
    %broadcast_in_dim3A_78 = vector.broadcast %broadcast_in_dim3A_77 : f32 to vector<1000x1xf32>
    %concatenate3A_79 = tpu.concatenate %slice3A_76, %broadcast_in_dim3A_78 in 1 : vector<1000x255xf32>, vector<1000x1xf32> -> vector<1000x256xf32>
    %mul3A_80 = vector.broadcast %get3A_75 : vector<1x1xf32> to vector<1000x256xf32>
    %mul3A_81 = arith.mulf %mul3A_80, %concatenate3A_79 : vector<1000x256xf32>
    %add3A_82 = arith.addf %add3A_72, %mul3A_81 : vector<1000x256xf32>
    %slice3A_83 = vector.extract_strided_slice %get3A_1 {offsets = [0, 768], sizes = [1000, 256], strides = [1, 1]} : vector<1000x1024xf32> to vector<1000x256xf32>
    %get3A_84 = arith.constant 3 : index
    %get3A_85 = arith.constant 0 : index
    %get3A_86 = vector.load %arg3[%get3A_84, %get3A_85] : memref<4x3xf32, #tpu.memory_space<vmem>>, vector<1x1xf32>
    %broadcast_in_dim3A_87 = arith.constant 0.000000e+00 : f32
    %broadcast_in_dim3A_88 = vector.broadcast %broadcast_in_dim3A_87 : f32 to vector<1000x1xf32>
    %slice3A_89 = vector.extract_strided_slice %slice3A_83 {offsets = [0, 0], sizes = [1000, 255], strides = [1, 1]} : vector<1000x256xf32> to vector<1000x255xf32>
    %concatenate3A_90 = tpu.concatenate %broadcast_in_dim3A_88, %slice3A_89 in 1 : vector<1000x1xf32>, vector<1000x255xf32> -> vector<1000x256xf32>
    %mul3A_91 = vector.broadcast %get3A_86 : vector<1x1xf32> to vector<1000x256xf32>
    %mul3A_92 = arith.mulf %mul3A_91, %concatenate3A_90 : vector<1000x256xf32>
    %add3A_93 = arith.addf %add3A_82, %mul3A_92 : vector<1000x256xf32>
    %get3A_94 = arith.constant 3 : index
    %get3A_95 = arith.constant 1 : index
    %get3A_96 = vector.load %arg3[%get3A_94, %get3A_95] : memref<4x3xf32, #tpu.memory_space<vmem>>, vector<1x1xf32>
    %mul3A_97 = vector.broadcast %get3A_96 : vector<1x1xf32> to vector<1000x256xf32>
    %mul3A_98 = arith.mulf %mul3A_97, %slice3A_83 : vector<1000x256xf32>
    %add3A_99 = arith.addf %add3A_93, %mul3A_98 : vector<1000x256xf32>
    %get3A_100 = arith.constant 3 : index
    %get3A_101 = arith.constant 2 : index
    %get3A_102 = vector.load %arg3[%get3A_100, %get3A_101] : memref<4x3xf32, #tpu.memory_space<vmem>>, vector<1x1xf32>
    %slice3A_103 = vector.extract_strided_slice %slice3A_83 {offsets = [0, 1], sizes = [1000, 255], strides = [1, 1]} : vector<1000x256xf32> to vector<1000x255xf32>
    %broadcast_in_dim3A_104 = arith.constant 0.000000e+00 : f32
    %broadcast_in_dim3A_105 = vector.broadcast %broadcast_in_dim3A_104 : f32 to vector<1000x1xf32>
    %concatenate3A_106 = tpu.concatenate %slice3A_103, %broadcast_in_dim3A_105 in 1 : vector<1000x255xf32>, vector<1000x1xf32> -> vector<1000x256xf32>
    %mul3A_107 = vector.broadcast %get3A_102 : vector<1x1xf32> to vector<1000x256xf32>
    %mul3A_108 = arith.mulf %mul3A_107, %concatenate3A_106 : vector<1000x256xf32>
    %add3A_109 = arith.addf %add3A_99, %mul3A_108 : vector<1000x256xf32>
    %get3A_110 = arith.constant 0 : index
    %get3A_111 = arith.constant 0 : index
    %get3A_112 = vector.load %arg7[%get3A_110, %get3A_111] : memref<256x500xf32, #tpu.memory_space<vmem>>, vector<256x500xf32>
    %dot_general3A = arith.constant dense<0.000000e+00> : vector<1000x500xf32>
    %dot_general3A_113 = tpu.matmul %add3A_109, %get3A_112, %dot_general3A {dimension_numbers = #tpu.dot_dimension_numbers<[1], [0], [0], [1], [0, 0, 1, 1], [], []>, transpose_lhs_hint = false} : vector<1000x256xf32>, vector<256x500xf32>, vector<1000x500xf32> -> vector<1000x500xf32>
    %get3A_114 = arith.constant 0 : index
    %get3A_115 = arith.constant 0 : index
    %get3A_116 = vector.load %arg8[%get3A_114, %get3A_115] : memref<1x500xf32, #tpu.memory_space<vmem>>, vector<1x500xf32>
    %add3A_117 = vector.broadcast %get3A_116 : vector<1x500xf32> to vector<1000x500xf32>
    %add3A_118 = arith.addf %dot_general3A_113, %add3A_117 : vector<1000x500xf32>
    %max3A = arith.constant 0.000000e+00 : f32
    %max3A_119 = vector.broadcast %max3A : f32 to vector<1000x500xf32>
    %max3A_120 = arith.maximumf %add3A_118, %max3A_119 : vector<1000x500xf32>
    %get3A_121 = arith.constant 0 : index
    %get3A_122 = arith.constant 0 : index
    %get3A_123 = vector.load %arg9[%get3A_121, %get3A_122] : memref<500x500xf32, #tpu.memory_space<vmem>>, vector<500x500xf32>
    %dot_general3A_124 = arith.constant dense<0.000000e+00> : vector<1000x500xf32>
    %dot_general3A_125 = tpu.matmul %max3A_120, %get3A_123, %dot_general3A_124 {dimension_numbers = #tpu.dot_dimension_numbers<[1], [0], [0], [1], [0, 0, 1, 1], [], []>, transpose_lhs_hint = false} : vector<1000x500xf32>, vector<500x500xf32>, vector<1000x500xf32> -> vector<1000x500xf32>
    %get3A_126 = arith.constant 0 : index
    %get3A_127 = arith.constant 0 : index
    %get3A_128 = vector.load %arg10[%get3A_126, %get3A_127] : memref<1x500xf32, #tpu.memory_space<vmem>>, vector<1x500xf32>
    %add3A_129 = vector.broadcast %get3A_128 : vector<1x500xf32> to vector<1000x500xf32>
    %add3A_130 = arith.addf %dot_general3A_125, %add3A_129 : vector<1000x500xf32>
    %max3A_131 = arith.constant 0.000000e+00 : f32
    %max3A_132 = vector.broadcast %max3A_131 : f32 to vector<1000x500xf32>
    %max3A_133 = arith.maximumf %add3A_130, %max3A_132 : vector<1000x500xf32>
    %get3A_134 = arith.constant 0 : index
    %get3A_135 = arith.constant 0 : index
    %get3A_136 = vector.load %arg11[%get3A_134, %get3A_135] : memref<500x500xf32, #tpu.memory_space<vmem>>, vector<500x500xf32>
    %dot_general3A_137 = arith.constant dense<0.000000e+00> : vector<1000x500xf32>
    %dot_general3A_138 = tpu.matmul %max3A_133, %get3A_136, %dot_general3A_137 {dimension_numbers = #tpu.dot_dimension_numbers<[1], [0], [0], [1], [0, 0, 1, 1], [], []>, transpose_lhs_hint = false} : vector<1000x500xf32>, vector<500x500xf32>, vector<1000x500xf32> -> vector<1000x500xf32>
    %get3A_139 = arith.constant 0 : index
    %get3A_140 = arith.constant 0 : index
    %get3A_141 = vector.load %arg12[%get3A_139, %get3A_140] : memref<1x500xf32, #tpu.memory_space<vmem>>, vector<1x500xf32>
    %add3A_142 = vector.broadcast %get3A_141 : vector<1x500xf32> to vector<1000x500xf32>
    %add3A_143 = arith.addf %dot_general3A_138, %add3A_142 : vector<1000x500xf32>
    %max3A_144 = arith.constant 0.000000e+00 : f32
    %max3A_145 = vector.broadcast %max3A_144 : f32 to vector<1000x500xf32>
    %max3A_146 = arith.maximumf %add3A_143, %max3A_145 : vector<1000x500xf32>
    %get3A_147 = arith.constant 0 : index
    %get3A_148 = arith.constant 0 : index
    %get3A_149 = vector.load %arg13[%get3A_147, %get3A_148] : memref<500x100xf32, #tpu.memory_space<vmem>>, vector<500x100xf32>
    %dot_general3A_150 = arith.constant dense<0.000000e+00> : vector<1000x100xf32>
    %dot_general3A_151 = tpu.matmul %max3A_146, %get3A_149, %dot_general3A_150 {dimension_numbers = #tpu.dot_dimension_numbers<[1], [0], [0], [1], [0, 0, 1, 1], [], []>, transpose_lhs_hint = false} : vector<1000x500xf32>, vector<500x100xf32>, vector<1000x100xf32> -> vector<1000x100xf32>
    %get3A_152 = arith.constant 0 : index
    %get3A_153 = arith.constant 0 : index
    %get3A_154 = vector.load %arg14[%get3A_152, %get3A_153] : memref<1x100xf32, #tpu.memory_space<vmem>>, vector<1x100xf32>
    %add3A_155 = vector.broadcast %get3A_154 : vector<1x100xf32> to vector<1000x100xf32>
    %add3A_156 = arith.addf %dot_general3A_151, %add3A_155 : vector<1000x100xf32>
    %get3A_157 = arith.constant 0 : index
    %get3A_158 = arith.constant 0 : index
    %get3A_159 = vector.load %arg15[%get3A_157, %get3A_158] : memref<500x100xf32, #tpu.memory_space<vmem>>, vector<500x100xf32>
    %dot_general3A_160 = arith.constant dense<0.000000e+00> : vector<1000x100xf32>
    %dot_general3A_161 = tpu.matmul %max3A_146, %get3A_159, %dot_general3A_160 {dimension_numbers = #tpu.dot_dimension_numbers<[1], [0], [0], [1], [0, 0, 1, 1], [], []>, transpose_lhs_hint = false} : vector<1000x500xf32>, vector<500x100xf32>, vector<1000x100xf32> -> vector<1000x100xf32>
    %get3A_162 = arith.constant 0 : index
    %get3A_163 = arith.constant 0 : index
    %get3A_164 = vector.load %arg16[%get3A_162, %get3A_163] : memref<1x100xf32, #tpu.memory_space<vmem>>, vector<1x100xf32>
    %add3A_165 = vector.broadcast %get3A_164 : vector<1x100xf32> to vector<1000x100xf32>
    %add3A_166 = arith.addf %dot_general3A_161, %add3A_165 : vector<1000x100xf32>
    %mul3A_167 = arith.constant 5.000000e-01 : f32
    %mul3A_168 = vector.broadcast %mul3A_167 : f32 to vector<1000x100xf32>
    %mul3A_169 = arith.mulf %mul3A_168, %add3A_166 : vector<1000x100xf32>
    %exp3A = math.exp %mul3A_169 : vector<1000x100xf32>
    %get3A_170 = arith.constant 0 : index
    %get3A_171 = arith.constant 0 : index
    %get3A_172 = vector.load %arg2[%get3A_170, %get3A_171] : memref<1000x100xf32, #tpu.memory_space<vmem>>, vector<1000x100xf32>
    %mul3A_173 = arith.mulf %get3A_172, %exp3A : vector<1000x100xf32>
    %add3A_174 = arith.addf %mul3A_173, %add3A_156 : vector<1000x100xf32>
    %get3A_175 = arith.constant 0 : index
    %get3A_176 = arith.constant 0 : index
    %get3A_177 = vector.load %arg17[%get3A_175, %get3A_176] : memref<100x500xf32, #tpu.memory_space<vmem>>, vector<100x500xf32>
    %dot_general3A_178 = arith.constant dense<0.000000e+00> : vector<1000x500xf32>
    %dot_general3A_179 = tpu.matmul %add3A_174, %get3A_177, %dot_general3A_178 {dimension_numbers = #tpu.dot_dimension_numbers<[1], [0], [0], [1], [0, 0, 1, 1], [], []>, transpose_lhs_hint = false} : vector<1000x100xf32>, vector<100x500xf32>, vector<1000x500xf32> -> vector<1000x500xf32>
    %get3A_180 = arith.constant 0 : index
    %get3A_181 = arith.constant 0 : index
    %get3A_182 = vector.load %arg18[%get3A_180, %get3A_181] : memref<1x500xf32, #tpu.memory_space<vmem>>, vector<1x500xf32>
    %add3A_183 = vector.broadcast %get3A_182 : vector<1x500xf32> to vector<1000x500xf32>
    %add3A_184 = arith.addf %dot_general3A_179, %add3A_183 : vector<1000x500xf32>
    %max3A_185 = arith.constant 0.000000e+00 : f32
    %max3A_186 = vector.broadcast %max3A_185 : f32 to vector<1000x500xf32>
    %max3A_187 = arith.maximumf %add3A_184, %max3A_186 : vector<1000x500xf32>
    %get3A_188 = arith.constant 0 : index
    %get3A_189 = arith.constant 0 : index
    %get3A_190 = vector.load %arg19[%get3A_188, %get3A_189] : memref<500x500xf32, #tpu.memory_space<vmem>>, vector<500x500xf32>
    %dot_general3A_191 = arith.constant dense<0.000000e+00> : vector<1000x500xf32>
    %dot_general3A_192 = tpu.matmul %max3A_187, %get3A_190, %dot_general3A_191 {dimension_numbers = #tpu.dot_dimension_numbers<[1], [0], [0], [1], [0, 0, 1, 1], [], []>, transpose_lhs_hint = false} : vector<1000x500xf32>, vector<500x500xf32>, vector<1000x500xf32> -> vector<1000x500xf32>
    %get3A_193 = arith.constant 0 : index
    %get3A_194 = arith.constant 0 : index
    %get3A_195 = vector.load %arg20[%get3A_193, %get3A_194] : memref<1x500xf32, #tpu.memory_space<vmem>>, vector<1x500xf32>
    %add3A_196 = vector.broadcast %get3A_195 : vector<1x500xf32> to vector<1000x500xf32>
    %add3A_197 = arith.addf %dot_general3A_192, %add3A_196 : vector<1000x500xf32>
    %max3A_198 = arith.constant 0.000000e+00 : f32
    %max3A_199 = vector.broadcast %max3A_198 : f32 to vector<1000x500xf32>
    %max3A_200 = arith.maximumf %add3A_197, %max3A_199 : vector<1000x500xf32>
    %get3A_201 = arith.constant 0 : index
    %get3A_202 = arith.constant 0 : index
    %get3A_203 = vector.load %arg21[%get3A_201, %get3A_202] : memref<500x256xf32, #tpu.memory_space<vmem>>, vector<500x256xf32>
    %dot_general3A_204 = arith.constant dense<0.000000e+00> : vector<1000x256xf32>
    %dot_general3A_205 = tpu.matmul %max3A_200, %get3A_203, %dot_general3A_204 {dimension_numbers = #tpu.dot_dimension_numbers<[1], [0], [0], [1], [0, 0, 1, 1], [], []>, transpose_lhs_hint = false} : vector<1000x500xf32>, vector<500x256xf32>, vector<1000x256xf32> -> vector<1000x256xf32>
    %get3A_206 = arith.constant 0 : index
    %get3A_207 = arith.constant 0 : index
    %get3A_208 = vector.load %arg22[%get3A_206, %get3A_207] : memref<1x256xf32, #tpu.memory_space<vmem>>, vector<1x256xf32>
    %add3A_209 = vector.broadcast %get3A_208 : vector<1x256xf32> to vector<1000x256xf32>
    %add3A_210 = arith.addf %dot_general3A_205, %add3A_209 : vector<1000x256xf32>
    %logistic3A = arith.negf %add3A_210 : vector<1000x256xf32>
    %logistic3A_211 = math.exp %logistic3A : vector<1000x256xf32>
    %logistic3A_212 = arith.constant 1.000000e+00 : f32
    %logistic3A_213 = vector.broadcast %logistic3A_212 : f32 to vector<1000x256xf32>
    %logistic3A_214 = arith.addf %logistic3A_213, %logistic3A_211 : vector<1000x256xf32>
    %logistic3A_215 = arith.divf %logistic3A_213, %logistic3A_214 : vector<1000x256xf32>
    %get3A_216 = arith.constant 0 : index
    %get3A_217 = arith.constant 0 : index
    %get3A_218 = vector.load %arg6[%get3A_216, %get3A_217] : memref<1x4xf32, #tpu.memory_space<vmem>>, vector<1x1xf32>
    %get3A_219 = arith.constant 0 : index
    %get3A_220 = arith.constant 1 : index
    %get3A_221 = vector.load %arg5[%get3A_219, %get3A_220] : memref<4x3xf32, #tpu.memory_space<vmem>>, vector<1x1xf32>
    %mul3A_222 = vector.broadcast %get3A_221 : vector<1x1xf32> to vector<1000x256xf32>
    %mul3A_223 = arith.mulf %mul3A_222, %logistic3A_215 : vector<1000x256xf32>
    %add3A_224 = vector.broadcast %get3A_218 : vector<1x1xf32> to vector<1000x256xf32>
    %add3A_225 = arith.addf %add3A_224, %mul3A_223 : vector<1000x256xf32>
    %get3A_226 = arith.constant 0 : index
    %get3A_227 = arith.constant 0 : index
    %get3A_228 = vector.load %arg5[%get3A_226, %get3A_227] : memref<4x3xf32, #tpu.memory_space<vmem>>, vector<1x1xf32>
    %broadcast_in_dim3A_229 = arith.constant 0.000000e+00 : f32
    %broadcast_in_dim3A_230 = vector.broadcast %broadcast_in_dim3A_229 : f32 to vector<1000x1xf32>
    %slice3A_231 = vector.extract_strided_slice %logistic3A_215 {offsets = [0, 0], sizes = [1000, 255], strides = [1, 1]} : vector<1000x256xf32> to vector<1000x255xf32>
    %concatenate3A_232 = tpu.concatenate %broadcast_in_dim3A_230, %slice3A_231 in 1 : vector<1000x1xf32>, vector<1000x255xf32> -> vector<1000x256xf32>
    %mul3A_233 = vector.broadcast %get3A_228 : vector<1x1xf32> to vector<1000x256xf32>
    %mul3A_234 = arith.mulf %mul3A_233, %concatenate3A_232 : vector<1000x256xf32>
    %add3A_235 = arith.addf %add3A_225, %mul3A_234 : vector<1000x256xf32>
    %get3A_236 = arith.constant 0 : index
    %get3A_237 = arith.constant 2 : index
    %get3A_238 = vector.load %arg5[%get3A_236, %get3A_237] : memref<4x3xf32, #tpu.memory_space<vmem>>, vector<1x1xf32>
    %slice3A_239 = vector.extract_strided_slice %logistic3A_215 {offsets = [0, 1], sizes = [1000, 255], strides = [1, 1]} : vector<1000x256xf32> to vector<1000x255xf32>
    %broadcast_in_dim3A_240 = arith.constant 0.000000e+00 : f32
    %broadcast_in_dim3A_241 = vector.broadcast %broadcast_in_dim3A_240 : f32 to vector<1000x1xf32>
    %concatenate3A_242 = tpu.concatenate %slice3A_239, %broadcast_in_dim3A_241 in 1 : vector<1000x255xf32>, vector<1000x1xf32> -> vector<1000x256xf32>
    %mul3A_243 = vector.broadcast %get3A_238 : vector<1x1xf32> to vector<1000x256xf32>
    %mul3A_244 = arith.mulf %mul3A_243, %concatenate3A_242 : vector<1000x256xf32>
    %add3A_245 = arith.addf %add3A_235, %mul3A_244 : vector<1000x256xf32>
    %swap3A = arith.constant 0 : index
    %swap3A_246 = arith.constant 0 : index
    %swap3A_247 = vector.load %arg24[%swap3A, %swap3A_246] : memref<1000x1024xf32, #tpu.memory_space<vmem>>, vector<1000x256xf32>
    tpu.vector_store %arg24[%swap3A, %swap3A_246], %add3A_245 {strides = array<i32>} : memref<1000x1024xf32, #tpu.memory_space<vmem>>, vector<1000x256xf32>,
    %get3A_248 = arith.constant 0 : index
    %get3A_249 = arith.constant 1 : index
    %get3A_250 = vector.load %arg6[%get3A_248, %get3A_249] : memref<1x4xf32, #tpu.memory_space<vmem>>, vector<1x1xf32>
    %get3A_251 = arith.constant 1 : index
    %get3A_252 = arith.constant 1 : index
    %get3A_253 = vector.load %arg5[%get3A_251, %get3A_252] : memref<4x3xf32, #tpu.memory_space<vmem>>, vector<1x1xf32>
    %mul3A_254 = vector.broadcast %get3A_253 : vector<1x1xf32> to vector<1000x256xf32>
    %mul3A_255 = arith.mulf %mul3A_254, %logistic3A_215 : vector<1000x256xf32>
    %add3A_256 = vector.broadcast %get3A_250 : vector<1x1xf32> to vector<1000x256xf32>
    %add3A_257 = arith.addf %add3A_256, %mul3A_255 : vector<1000x256xf32>
    %get3A_258 = arith.constant 1 : index
    %get3A_259 = arith.constant 0 : index
    %get3A_260 = vector.load %arg5[%get3A_258, %get3A_259] : memref<4x3xf32, #tpu.memory_space<vmem>>, vector<1x1xf32>
    %broadcast_in_dim3A_261 = arith.constant 0.000000e+00 : f32
    %broadcast_in_dim3A_262 = vector.broadcast %broadcast_in_dim3A_261 : f32 to vector<1000x1xf32>
    %slice3A_263 = vector.extract_strided_slice %logistic3A_215 {offsets = [0, 0], sizes = [1000, 255], strides = [1, 1]} : vector<1000x256xf32> to vector<1000x255xf32>
    %concatenate3A_264 = tpu.concatenate %broadcast_in_dim3A_262, %slice3A_263 in 1 : vector<1000x1xf32>, vector<1000x255xf32> -> vector<1000x256xf32>
    %mul3A_265 = vector.broadcast %get3A_260 : vector<1x1xf32> to vector<1000x256xf32>
    %mul3A_266 = arith.mulf %mul3A_265, %concatenate3A_264 : vector<1000x256xf32>
    %add3A_267 = arith.addf %add3A_257, %mul3A_266 : vector<1000x256xf32>
    %get3A_268 = arith.constant 1 : index
    %get3A_269 = arith.constant 2 : index
    %get3A_270 = vector.load %arg5[%get3A_268, %get3A_269] : memref<4x3xf32, #tpu.memory_space<vmem>>, vector<1x1xf32>
    %slice3A_271 = vector.extract_strided_slice %logistic3A_215 {offsets = [0, 1], sizes = [1000, 255], strides = [1, 1]} : vector<1000x256xf32> to vector<1000x255xf32>
    %broadcast_in_dim3A_272 = arith.constant 0.000000e+00 : f32
    %broadcast_in_dim3A_273 = vector.broadcast %broadcast_in_dim3A_272 : f32 to vector<1000x1xf32>
    %concatenate3A_274 = tpu.concatenate %slice3A_271, %broadcast_in_dim3A_273 in 1 : vector<1000x255xf32>, vector<1000x1xf32> -> vector<1000x256xf32>
    %mul3A_275 = vector.broadcast %get3A_270 : vector<1x1xf32> to vector<1000x256xf32>
    %mul3A_276 = arith.mulf %mul3A_275, %concatenate3A_274 : vector<1000x256xf32>
    %add3A_277 = arith.addf %add3A_267, %mul3A_276 : vector<1000x256xf32>
    %swap3A_278 = arith.constant 0 : index
    %swap3A_279 = arith.constant 256 : index
    %swap3A_280 = vector.load %arg24[%swap3A_278, %swap3A_279] : memref<1000x1024xf32, #tpu.memory_space<vmem>>, vector<1000x256xf32>
    tpu.vector_store %arg24[%swap3A_278, %swap3A_279], %add3A_277 {strides = array<i32>} : memref<1000x1024xf32, #tpu.memory_space<vmem>>, vector<1000x256xf32>,
    %get3A_281 = arith.constant 0 : index
    %get3A_282 = arith.constant 2 : index
    %get3A_283 = vector.load %arg6[%get3A_281, %get3A_282] : memref<1x4xf32, #tpu.memory_space<vmem>>, vector<1x1xf32>
    %get3A_284 = arith.constant 2 : index
    %get3A_285 = arith.constant 1 : index
    %get3A_286 = vector.load %arg5[%get3A_284, %get3A_285] : memref<4x3xf32, #tpu.memory_space<vmem>>, vector<1x1xf32>
    %mul3A_287 = vector.broadcast %get3A_286 : vector<1x1xf32> to vector<1000x256xf32>
    %mul3A_288 = arith.mulf %mul3A_287, %logistic3A_215 : vector<1000x256xf32>
    %add3A_289 = vector.broadcast %get3A_283 : vector<1x1xf32> to vector<1000x256xf32>
    %add3A_290 = arith.addf %add3A_289, %mul3A_288 : vector<1000x256xf32>
    %get3A_291 = arith.constant 2 : index
    %get3A_292 = arith.constant 0 : index
    %get3A_293 = vector.load %arg5[%get3A_291, %get3A_292] : memref<4x3xf32, #tpu.memory_space<vmem>>, vector<1x1xf32>
    %broadcast_in_dim3A_294 = arith.constant 0.000000e+00 : f32
    %broadcast_in_dim3A_295 = vector.broadcast %broadcast_in_dim3A_294 : f32 to vector<1000x1xf32>
    %slice3A_296 = vector.extract_strided_slice %logistic3A_215 {offsets = [0, 0], sizes = [1000, 255], strides = [1, 1]} : vector<1000x256xf32> to vector<1000x255xf32>
    %concatenate3A_297 = tpu.concatenate %broadcast_in_dim3A_295, %slice3A_296 in 1 : vector<1000x1xf32>, vector<1000x255xf32> -> vector<1000x256xf32>
    %mul3A_298 = vector.broadcast %get3A_293 : vector<1x1xf32> to vector<1000x256xf32>
    %mul3A_299 = arith.mulf %mul3A_298, %concatenate3A_297 : vector<1000x256xf32>
    %add3A_300 = arith.addf %add3A_290, %mul3A_299 : vector<1000x256xf32>
    %get3A_301 = arith.constant 2 : index
    %get3A_302 = arith.constant 2 : index
    %get3A_303 = vector.load %arg5[%get3A_301, %get3A_302] : memref<4x3xf32, #tpu.memory_space<vmem>>, vector<1x1xf32>
    %slice3A_304 = vector.extract_strided_slice %logistic3A_215 {offsets = [0, 1], sizes = [1000, 255], strides = [1, 1]} : vector<1000x256xf32> to vector<1000x255xf32>
    %broadcast_in_dim3A_305 = arith.constant 0.000000e+00 : f32
    %broadcast_in_dim3A_306 = vector.broadcast %broadcast_in_dim3A_305 : f32 to vector<1000x1xf32>
    %concatenate3A_307 = tpu.concatenate %slice3A_304, %broadcast_in_dim3A_306 in 1 : vector<1000x255xf32>, vector<1000x1xf32> -> vector<1000x256xf32>
    %mul3A_308 = vector.broadcast %get3A_303 : vector<1x1xf32> to vector<1000x256xf32>
    %mul3A_309 = arith.mulf %mul3A_308, %concatenate3A_307 : vector<1000x256xf32>
    %add3A_310 = arith.addf %add3A_300, %mul3A_309 : vector<1000x256xf32>
    %swap3A_311 = arith.constant 0 : index
    %swap3A_312 = arith.constant 512 : index
    %swap3A_313 = vector.load %arg24[%swap3A_311, %swap3A_312] : memref<1000x1024xf32, #tpu.memory_space<vmem>>, vector<1000x256xf32>
    tpu.vector_store %arg24[%swap3A_311, %swap3A_312], %add3A_310 {strides = array<i32>} : memref<1000x1024xf32, #tpu.memory_space<vmem>>, vector<1000x256xf32>,
    %get3A_314 = arith.constant 0 : index
    %get3A_315 = arith.constant 3 : index
    %get3A_316 = vector.load %arg6[%get3A_314, %get3A_315] : memref<1x4xf32, #tpu.memory_space<vmem>>, vector<1x1xf32>
    %get3A_317 = arith.constant 3 : index
    %get3A_318 = arith.constant 1 : index
    %get3A_319 = vector.load %arg5[%get3A_317, %get3A_318] : memref<4x3xf32, #tpu.memory_space<vmem>>, vector<1x1xf32>
    %mul3A_320 = vector.broadcast %get3A_319 : vector<1x1xf32> to vector<1000x256xf32>
    %mul3A_321 = arith.mulf %mul3A_320, %logistic3A_215 : vector<1000x256xf32>
    %add3A_322 = vector.broadcast %get3A_316 : vector<1x1xf32> to vector<1000x256xf32>
    %add3A_323 = arith.addf %add3A_322, %mul3A_321 : vector<1000x256xf32>
    %get3A_324 = arith.constant 3 : index
    %get3A_325 = arith.constant 0 : index
    %get3A_326 = vector.load %arg5[%get3A_324, %get3A_325] : memref<4x3xf32, #tpu.memory_space<vmem>>, vector<1x1xf32>
    %broadcast_in_dim3A_327 = arith.constant 0.000000e+00 : f32
    %broadcast_in_dim3A_328 = vector.broadcast %broadcast_in_dim3A_327 : f32 to vector<1000x1xf32>
    %slice3A_329 = vector.extract_strided_slice %logistic3A_215 {offsets = [0, 0], sizes = [1000, 255], strides = [1, 1]} : vector<1000x256xf32> to vector<1000x255xf32>
    %concatenate3A_330 = tpu.concatenate %broadcast_in_dim3A_328, %slice3A_329 in 1 : vector<1000x1xf32>, vector<1000x255xf32> -> vector<1000x256xf32>
    %mul3A_331 = vector.broadcast %get3A_326 : vector<1x1xf32> to vector<1000x256xf32>
    %mul3A_332 = arith.mulf %mul3A_331, %concatenate3A_330 : vector<1000x256xf32>
    %add3A_333 = arith.addf %add3A_323, %mul3A_332 : vector<1000x256xf32>
    %get3A_334 = arith.constant 3 : index
    %get3A_335 = arith.constant 2 : index
    %get3A_336 = vector.load %arg5[%get3A_334, %get3A_335] : memref<4x3xf32, #tpu.memory_space<vmem>>, vector<1x1xf32>
    %slice3A_337 = vector.extract_strided_slice %logistic3A_215 {offsets = [0, 1], sizes = [1000, 255], strides = [1, 1]} : vector<1000x256xf32> to vector<1000x255xf32>
    %broadcast_in_dim3A_338 = arith.constant 0.000000e+00 : f32
    %broadcast_in_dim3A_339 = vector.broadcast %broadcast_in_dim3A_338 : f32 to vector<1000x1xf32>
    %concatenate3A_340 = tpu.concatenate %slice3A_337, %broadcast_in_dim3A_339 in 1 : vector<1000x255xf32>, vector<1000x1xf32> -> vector<1000x256xf32>
    %mul3A_341 = vector.broadcast %get3A_336 : vector<1x1xf32> to vector<1000x256xf32>
    %mul3A_342 = arith.mulf %mul3A_341, %concatenate3A_340 : vector<1000x256xf32>
    %add3A_343 = arith.addf %add3A_333, %mul3A_342 : vector<1000x256xf32>
    %swap3A_344 = arith.constant 0 : index
    %swap3A_345 = arith.constant 768 : index
    %swap3A_346 = vector.load %arg24[%swap3A_344, %swap3A_345] : memref<1000x1024xf32, #tpu.memory_space<vmem>>, vector<1000x256xf32>
    tpu.vector_store %arg24[%swap3A_344, %swap3A_345], %add3A_343 {strides = array<i32>} : memref<1000x1024xf32, #tpu.memory_space<vmem>>, vector<1000x256xf32>,
    %swap3A_347 = arith.constant 0 : index
    %swap3A_348 = arith.constant 0 : index
    %swap3A_349 = vector.load %arg25[%swap3A_347, %swap3A_348] : memref<1000x100xf32, #tpu.memory_space<vmem>>, vector<1000x100xf32>
    tpu.vector_store %arg25[%swap3A_347, %swap3A_348], %add3A_156 {strides = array<i32>} : memref<1000x100xf32, #tpu.memory_space<vmem>>, vector<1000x100xf32>,
    %swap3A_350 = arith.constant 0 : index
    %swap3A_351 = arith.constant 0 : index
    %swap3A_352 = vector.load %arg26[%swap3A_350, %swap3A_351] : memref<1000x100xf32, #tpu.memory_space<vmem>>, vector<1000x100xf32>
    tpu.vector_store %arg26[%swap3A_350, %swap3A_351], %add3A_166 {strides = array<i32>} : memref<1000x100xf32, #tpu.memory_space<vmem>>, vector<1000x100xf32>,
    %get3A_353 = arith.constant 0 : index
    %get3A_354 = arith.constant 0 : index
    %get3A_355 = vector.load %arg23[%get3A_353, %get3A_354] : memref<256x100xf32, #tpu.memory_space<vmem>>, vector<256x100xf32>
    %dot_general3A_356 = arith.constant dense<0.000000e+00> : vector<1000x100xf32>
    %dot_general3A_357 = tpu.matmul %add3A_109, %get3A_355, %dot_general3A_356 {dimension_numbers = #tpu.dot_dimension_numbers<[1], [0], [0], [1], [0, 0, 1, 1], [], []>, transpose_lhs_hint = false} : vector<1000x256xf32>, vector<256x100xf32>, vector<1000x100xf32> -> vector<1000x100xf32>
    %swap3A_358 = arith.constant 0 : index
    %swap3A_359 = arith.constant 0 : index
    %swap3A_360 = vector.load %arg27[%swap3A_358, %swap3A_359] : memref<1000x100xf32, #tpu.memory_space<vmem>>, vector<1000x100xf32>
    tpu.vector_store %arg27[%swap3A_358, %swap3A_359], %dot_general3A_357 {strides = array<i32>} : memref<1000x100xf32, #tpu.memory_space<vmem>>, vector<1000x100xf32>,
    return
  }
  func.func @transform_0(%arg0: i32) -> (i32, i32) {
    %c0_i32 = arith.constant 0 : i32
    %c0_i32_0 = arith.constant 0 : i32
    return %arg0, %c0_i32 : i32, i32
  }
  func.func @transform_1(%arg0: i32) -> (i32, i32) {
    %c0_i32 = arith.constant 0 : i32
    %c0_i32_0 = arith.constant 0 : i32
    return %arg0, %c0_i32 : i32, i32
  }
  func.func @transform_2(%arg0: i32) -> (i32, i32) {
    %c0_i32 = arith.constant 0 : i32
    %c0_i32_0 = arith.constant 0 : i32
    %c0_i32_1 = arith.constant 0 : i32
    return %c0_i32, %c0_i32_0 : i32, i32
  }
  func.func @transform_3(%arg0: i32) -> (i32, i32) {
    %c0_i32 = arith.constant 0 : i32
    %c0_i32_0 = arith.constant 0 : i32
    %c0_i32_1 = arith.constant 0 : i32
    return %c0_i32, %c0_i32_0 : i32, i32
  }
  func.func @transform_4(%arg0: i32) -> (i32, i32) {
    %c0_i32 = arith.constant 0 : i32
    %c0_i32_0 = arith.constant 0 : i32
    %c0_i32_1 = arith.constant 0 : i32
    return %c0_i32, %c0_i32_0 : i32, i32
  }
  func.func @transform_5(%arg0: i32) -> (i32, i32) {
    %c0_i32 = arith.constant 0 : i32
    %c0_i32_0 = arith.constant 0 : i32
    %c0_i32_1 = arith.constant 0 : i32
    return %c0_i32, %c0_i32_0 : i32, i32
  }
  func.func @transform_6(%arg0: i32) -> (i32, i32) {
    %c0_i32 = arith.constant 0 : i32
    %c0_i32_0 = arith.constant 0 : i32
    %c0_i32_1 = arith.constant 0 : i32
    return %c0_i32, %c0_i32_0 : i32, i32
  }
  func.func @transform_7(%arg0: i32) -> (i32, i32) {
    %c0_i32 = arith.constant 0 : i32
    %c0_i32_0 = arith.constant 0 : i32
    %c0_i32_1 = arith.constant 0 : i32
    return %c0_i32, %c0_i32_0 : i32, i32
  }
  func.func @transform_8(%arg0: i32) -> (i32, i32) {
    %c0_i32 = arith.constant 0 : i32
    %c0_i32_0 = arith.constant 0 : i32
    %c0_i32_1 = arith.constant 0 : i32
    return %c0_i32, %c0_i32_0 : i32, i32
  }
  func.func @transform_9(%arg0: i32) -> (i32, i32) {
    %c0_i32 = arith.constant 0 : i32
    %c0_i32_0 = arith.constant 0 : i32
    %c0_i32_1 = arith.constant 0 : i32
    return %c0_i32, %c0_i32_0 : i32, i32
  }
  func.func @transform_10(%arg0: i32) -> (i32, i32) {
    %c0_i32 = arith.constant 0 : i32
    %c0_i32_0 = arith.constant 0 : i32
    %c0_i32_1 = arith.constant 0 : i32
    return %c0_i32, %c0_i32_0 : i32, i32
  }
  func.func @transform_11(%arg0: i32) -> (i32, i32) {
    %c0_i32 = arith.constant 0 : i32
    %c0_i32_0 = arith.constant 0 : i32
    %c0_i32_1 = arith.constant 0 : i32
    return %c0_i32, %c0_i32_0 : i32, i32
  }
  func.func @transform_12(%arg0: i32) -> (i32, i32) {
    %c0_i32 = arith.constant 0 : i32
    %c0_i32_0 = arith.constant 0 : i32
    %c0_i32_1 = arith.constant 0 : i32
    return %c0_i32, %c0_i32_0 : i32, i32
  }
  func.func @transform_13(%arg0: i32) -> (i32, i32) {
    %c0_i32 = arith.constant 0 : i32
    %c0_i32_0 = arith.constant 0 : i32
    %c0_i32_1 = arith.constant 0 : i32
    return %c0_i32, %c0_i32_0 : i32, i32
  }
  func.func @transform_14(%arg0: i32) -> (i32, i32) {
    %c0_i32 = arith.constant 0 : i32
    %c0_i32_0 = arith.constant 0 : i32
    %c0_i32_1 = arith.constant 0 : i32
    return %c0_i32, %c0_i32_0 : i32, i32
  }
  func.func @transform_15(%arg0: i32) -> (i32, i32) {
    %c0_i32 = arith.constant 0 : i32
    %c0_i32_0 = arith.constant 0 : i32
    %c0_i32_1 = arith.constant 0 : i32
    return %c0_i32, %c0_i32_0 : i32, i32
  }
  func.func @transform_16(%arg0: i32) -> (i32, i32) {
    %c0_i32 = arith.constant 0 : i32
    %c0_i32_0 = arith.constant 0 : i32
    %c0_i32_1 = arith.constant 0 : i32
    return %c0_i32, %c0_i32_0 : i32, i32
  }
  func.func @transform_17(%arg0: i32) -> (i32, i32) {
    %c0_i32 = arith.constant 0 : i32
    %c0_i32_0 = arith.constant 0 : i32
    %c0_i32_1 = arith.constant 0 : i32
    return %c0_i32, %c0_i32_0 : i32, i32
  }
  func.func @transform_18(%arg0: i32) -> (i32, i32) {
    %c0_i32 = arith.constant 0 : i32
    %c0_i32_0 = arith.constant 0 : i32
    %c0_i32_1 = arith.constant 0 : i32
    return %c0_i32, %c0_i32_0 : i32, i32
  }
  func.func @transform_19(%arg0: i32) -> (i32, i32) {
    %c0_i32 = arith.constant 0 : i32
    %c0_i32_0 = arith.constant 0 : i32
    %c0_i32_1 = arith.constant 0 : i32
    return %c0_i32, %c0_i32_0 : i32, i32
  }
  func.func @transform_20(%arg0: i32) -> (i32, i32) {
    %c0_i32 = arith.constant 0 : i32
    %c0_i32_0 = arith.constant 0 : i32
    %c0_i32_1 = arith.constant 0 : i32
    return %c0_i32, %c0_i32_0 : i32, i32
  }
  func.func @transform_21(%arg0: i32) -> (i32, i32) {
    %c0_i32 = arith.constant 0 : i32
    %c0_i32_0 = arith.constant 0 : i32
    %c0_i32_1 = arith.constant 0 : i32
    return %c0_i32, %c0_i32_0 : i32, i32
  }
  func.func @transform_22(%arg0: i32) -> (i32, i32) {
    %c0_i32 = arith.constant 0 : i32
    %c0_i32_0 = arith.constant 0 : i32
    %c0_i32_1 = arith.constant 0 : i32
    return %c0_i32, %c0_i32_0 : i32, i32
  }
  func.func @transform_23(%arg0: i32) -> (i32, i32) {
    %c0_i32 = arith.constant 0 : i32
    %c0_i32_0 = arith.constant 0 : i32
    return %arg0, %c0_i32 : i32, i32
  }
  func.func @transform_24(%arg0: i32) -> (i32, i32) {
    %c0_i32 = arith.constant 0 : i32
    %c0_i32_0 = arith.constant 0 : i32
    return %arg0, %c0_i32 : i32, i32
  }
  func.func @transform_25(%arg0: i32) -> (i32, i32) {
    %c0_i32 = arith.constant 0 : i32
    %c0_i32_0 = arith.constant 0 : i32
    return %arg0, %c0_i32 : i32, i32
  }
  func.func @transform_26(%arg0: i32) -> (i32, i32) {
    %c0_i32 = arith.constant 0 : i32
    %c0_i32_0 = arith.constant 0 : i32
    return %arg0, %c0_i32 : i32, i32
  }
}

module attributes {stable_mosaic.version = 14 : i64} {
  func.func @_gnn_body(%arg0: i32, %arg1: memref<400x10000xf32, #tpu.memory_space<vmem>>, %arg2: memref<10000x100xf32, #tpu.memory_space<vmem>>, %arg3: memref<100x100xf32, #tpu.memory_space<vmem>>, %arg4: memref<1x1xf32, #tpu.memory_space<vmem>>, %arg5: memref<400x100xf32, #tpu.memory_space<vmem>>) attributes {dimension_semantics = [#tpu.dimension_semantics<arbitrary>], iteration_bounds = array<i64: 25>, scalar_prefetch = 0 : i64, scratch_operands = 0 : i64, tpu.core_type = #tpu.core_type<tc>, window_params = [{transform_indices = @transform_0, window_bounds = array<i64: 400, 10000>}, {pipeline_mode = #tpu.pipeline_mode<synchronous>, transform_indices = @transform_1, window_bounds = array<i64: 10000, 100>}, {pipeline_mode = #tpu.pipeline_mode<synchronous>, transform_indices = @transform_2, window_bounds = array<i64: 100, 100>}, {pipeline_mode = #tpu.pipeline_mode<synchronous>, transform_indices = @transform_3, window_bounds = array<i64: 1, 1>}, {transform_indices = @transform_4, window_bounds = array<i64: 400, 100>}]} {
    %get3A = arith.constant 0 : index
    %get3A_0 = arith.constant 0 : index
    %get3A_1 = vector.load %arg1[%get3A, %get3A_0] : memref<400x10000xf32, #tpu.memory_space<vmem>>, vector<400x10000xf32>
    %get3A_2 = arith.constant 0 : index
    %get3A_3 = arith.constant 0 : index
    %get3A_4 = vector.load %arg2[%get3A_2, %get3A_3] : memref<10000x100xf32, #tpu.memory_space<vmem>>, vector<10000x100xf32>
    %dot_general3A = arith.constant dense<0.000000e+00> : vector<400x100xf32>
    %dot_general3A_5 = tpu.matmul %get3A_1, %get3A_4, %dot_general3A {dimension_numbers = #tpu.dot_dimension_numbers<[1], [0], [0], [1], [0, 0, 1, 1], [], []>, transpose_lhs_hint = false} : vector<400x10000xf32>, vector<10000x100xf32>, vector<400x100xf32> -> vector<400x100xf32>
    %get3A_6 = arith.constant 0 : index
    %get3A_7 = arith.constant 0 : index
    %get3A_8 = vector.load %arg3[%get3A_6, %get3A_7] : memref<100x100xf32, #tpu.memory_space<vmem>>, vector<100x100xf32>
    %dot_general3A_9 = arith.constant dense<0.000000e+00> : vector<400x100xf32>
    %dot_general3A_10 = tpu.matmul %dot_general3A_5, %get3A_8, %dot_general3A_9 {dimension_numbers = #tpu.dot_dimension_numbers<[1], [0], [0], [1], [0, 0, 1, 1], [], []>, transpose_lhs_hint = false} : vector<400x100xf32>, vector<100x100xf32>, vector<400x100xf32> -> vector<400x100xf32>
    %swap3A = arith.constant 0 : index
    %swap3A_11 = arith.constant 0 : index
    %swap3A_12 = vector.load %arg5[%swap3A, %swap3A_11] : memref<400x100xf32, #tpu.memory_space<vmem>>, vector<400x100xf32>
    tpu.vector_store %arg5[%swap3A, %swap3A_11], %dot_general3A_10 {strides = array<i32>} : memref<400x100xf32, #tpu.memory_space<vmem>>, vector<400x100xf32>,
    return
  }
  func.func @transform_0(%arg0: i32) -> (i32, i32) {
    %c0_i32 = arith.constant 0 : i32
    %c0_i32_0 = arith.constant 0 : i32
    return %arg0, %c0_i32 : i32, i32
  }
  func.func @transform_1(%arg0: i32) -> (i32, i32) {
    %c0_i32 = arith.constant 0 : i32
    %c0_i32_0 = arith.constant 0 : i32
    %c0_i32_1 = arith.constant 0 : i32
    return %c0_i32, %c0_i32_0 : i32, i32
  }
  func.func @transform_2(%arg0: i32) -> (i32, i32) {
    %c0_i32 = arith.constant 0 : i32
    %c0_i32_0 = arith.constant 0 : i32
    %c0_i32_1 = arith.constant 0 : i32
    return %c0_i32, %c0_i32_0 : i32, i32
  }
  func.func @transform_3(%arg0: i32) -> (i32, i32) {
    %c0_i32 = arith.constant 0 : i32
    %c0_i32_0 = arith.constant 0 : i32
    %c0_i32_1 = arith.constant 0 : i32
    return %c0_i32, %c0_i32_0 : i32, i32
  }
  func.func @transform_4(%arg0: i32) -> (i32, i32) {
    %c0_i32 = arith.constant 0 : i32
    %c0_i32_0 = arith.constant 0 : i32
    return %arg0, %c0_i32 : i32, i32
  }
}

module attributes {stable_mosaic.version = 14 : i64} {
  func.func @_gnn_body(%arg0: i32, %arg1: memref<400x10000xf32, #tpu.memory_space<vmem>>, %arg2: memref<10000x100xf32, #tpu.memory_space<vmem>>, %arg3: memref<100x10xf32, #tpu.memory_space<vmem>>, %arg4: memref<1x10xf32, #tpu.memory_space<vmem>>, %arg5: memref<400x10xf32, #tpu.memory_space<vmem>>) attributes {dimension_semantics = [#tpu.dimension_semantics<arbitrary>], iteration_bounds = array<i64: 25>, scalar_prefetch = 0 : i64, scratch_operands = 0 : i64, tpu.core_type = #tpu.core_type<tc>, window_params = [{transform_indices = @transform_0, window_bounds = array<i64: 400, 10000>}, {pipeline_mode = #tpu.pipeline_mode<synchronous>, transform_indices = @transform_1, window_bounds = array<i64: 10000, 100>}, {pipeline_mode = #tpu.pipeline_mode<synchronous>, transform_indices = @transform_2, window_bounds = array<i64: 100, 10>}, {pipeline_mode = #tpu.pipeline_mode<synchronous>, transform_indices = @transform_3, window_bounds = array<i64: 1, 10>}, {transform_indices = @transform_4, window_bounds = array<i64: 400, 10>}]} {
    %get3A = arith.constant 0 : index
    %get3A_0 = arith.constant 0 : index
    %get3A_1 = vector.load %arg1[%get3A, %get3A_0] : memref<400x10000xf32, #tpu.memory_space<vmem>>, vector<400x10000xf32>
    %get3A_2 = arith.constant 0 : index
    %get3A_3 = arith.constant 0 : index
    %get3A_4 = vector.load %arg2[%get3A_2, %get3A_3] : memref<10000x100xf32, #tpu.memory_space<vmem>>, vector<10000x100xf32>
    %dot_general3A = arith.constant dense<0.000000e+00> : vector<400x100xf32>
    %dot_general3A_5 = tpu.matmul %get3A_1, %get3A_4, %dot_general3A {dimension_numbers = #tpu.dot_dimension_numbers<[1], [0], [0], [1], [0, 0, 1, 1], [], []>, transpose_lhs_hint = false} : vector<400x10000xf32>, vector<10000x100xf32>, vector<400x100xf32> -> vector<400x100xf32>
    %get3A_6 = arith.constant 0 : index
    %get3A_7 = arith.constant 0 : index
    %get3A_8 = vector.load %arg3[%get3A_6, %get3A_7] : memref<100x10xf32, #tpu.memory_space<vmem>>, vector<100x10xf32>
    %dot_general3A_9 = arith.constant dense<0.000000e+00> : vector<400x10xf32>
    %dot_general3A_10 = tpu.matmul %dot_general3A_5, %get3A_8, %dot_general3A_9 {dimension_numbers = #tpu.dot_dimension_numbers<[1], [0], [0], [1], [0, 0, 1, 1], [], []>, transpose_lhs_hint = false} : vector<400x100xf32>, vector<100x10xf32>, vector<400x10xf32> -> vector<400x10xf32>
    %get3A_11 = arith.constant 0 : index
    %get3A_12 = arith.constant 0 : index
    %get3A_13 = vector.load %arg4[%get3A_11, %get3A_12] : memref<1x10xf32, #tpu.memory_space<vmem>>, vector<1x10xf32>
    %add3A = vector.broadcast %get3A_13 : vector<1x10xf32> to vector<400x10xf32>
    %add3A_14 = arith.addf %dot_general3A_10, %add3A : vector<400x10xf32>
    %reduce_max3A = arith.constant dense<0xFF800000> : vector<400xf32>
    %reduce_max3A_15 = vector.multi_reduction <maximumf>, %add3A_14, %reduce_max3A [1] : vector<400x10xf32> to vector<400xf32>
    %broadcast_in_dim3A = vector.shape_cast %reduce_max3A_15 : vector<400xf32> to vector<400x1xf32>
    %sub3A = vector.broadcast %broadcast_in_dim3A : vector<400x1xf32> to vector<400x10xf32>
    %sub3A_16 = arith.subf %add3A_14, %sub3A : vector<400x10xf32>
    %exp3A = math.exp %sub3A_16 : vector<400x10xf32>
    %reduce_sum3A = arith.constant dense<0.000000e+00> : vector<400xf32>
    %reduce_sum3A_17 = vector.multi_reduction <add>, %exp3A, %reduce_sum3A [1] : vector<400x10xf32> to vector<400xf32>
    %broadcast_in_dim3A_18 = vector.shape_cast %reduce_sum3A_17 : vector<400xf32> to vector<400x1xf32>
    %div3A = vector.broadcast %broadcast_in_dim3A_18 : vector<400x1xf32> to vector<400x10xf32>
    %div3A_19 = arith.divf %exp3A, %div3A : vector<400x10xf32>
    %swap3A = arith.constant 0 : index
    %swap3A_20 = arith.constant 0 : index
    %swap3A_21 = vector.load %arg5[%swap3A, %swap3A_20] : memref<400x10xf32, #tpu.memory_space<vmem>>, vector<400x10xf32>
    tpu.vector_store %arg5[%swap3A, %swap3A_20], %div3A_19 {strides = array<i32>} : memref<400x10xf32, #tpu.memory_space<vmem>>, vector<400x10xf32>,
    return
  }
  func.func @transform_0(%arg0: i32) -> (i32, i32) {
    %c0_i32 = arith.constant 0 : i32
    %c0_i32_0 = arith.constant 0 : i32
    return %arg0, %c0_i32 : i32, i32
  }
  func.func @transform_1(%arg0: i32) -> (i32, i32) {
    %c0_i32 = arith.constant 0 : i32
    %c0_i32_0 = arith.constant 0 : i32
    %c0_i32_1 = arith.constant 0 : i32
    return %c0_i32, %c0_i32_0 : i32, i32
  }
  func.func @transform_2(%arg0: i32) -> (i32, i32) {
    %c0_i32 = arith.constant 0 : i32
    %c0_i32_0 = arith.constant 0 : i32
    %c0_i32_1 = arith.constant 0 : i32
    return %c0_i32, %c0_i32_0 : i32, i32
  }
  func.func @transform_3(%arg0: i32) -> (i32, i32) {
    %c0_i32 = arith.constant 0 : i32
    %c0_i32_0 = arith.constant 0 : i32
    %c0_i32_1 = arith.constant 0 : i32
    return %c0_i32, %c0_i32_0 : i32, i32
  }
  func.func @transform_4(%arg0: i32) -> (i32, i32) {
    %c0_i32 = arith.constant 0 : i32
    %c0_i32_0 = arith.constant 0 : i32
    return %arg0, %c0_i32 : i32, i32
  }
}

</mosaic_0001>

<sc_bundles>
// kernel: sparse-core-data-format-call.cloned.1.call-start
scs
called_computation_lowered:
.L_overlay_start_0:
0x0: {  	s2 =	sld [smem:$0x3FD9]  }
0x1: {  	s3 =	sld [smem:$0x3FFE];
	_ =	sdelay $0x1  }
0x2: {  	s1 =	srdreg.scid  }
0x3: {  	s0 =	sand.u32 $0x1, s1  }
0x4: {  	s16 =	sshll.u32 s0, $0xA;
	s2 =	sadd.s32 s3, s2  }
0x5: {  	s2 =	sadd.s32 s2, s16  }
0x6: {  	[smem:$0x3FAB] =	sst s2  }
0x7: {  	_ = 	snop  }
0x8: {  	s2 =	sld [smem:$0x3FD0];
	_ =	sdelay $0x2  }
0x9: {  	s4 =	simm.s32 $0xA;
	s5 =	simm.s32 $0x10;
	s17 =	sld [smem:$0x3FC9]  }
0xa: {  	[smem:s5], [sflag:s4] =	dma.local [hbm:s2], $0x1  }
0xb: {  	_ =	swait.eq [sflag:s4], $0x1  }
0xc: {  	[sflag:s4] =	ssyncset.done $0x0  }
0xd: {  	[sflag:s4] =	ssyncadd.s32 $0xFFFFFFFF  }
0xe: {  	s18 =	sld [smem:$0x10];
	(tm) =	ssettm $0x1  }
0xf: {  	s19 =	sld [smem:$0x3FFB];
	_ =	sdelay $0x3  }
0x10: {  	_ =	strace s19  }
0x11: {  	s4 =	sld [smem:$0x3FFC];
	_ =	sdelay $0x3  }
0x12: {  	_ =	strace s4  }
0x13: {  	s4 =	sld [smem:$0x3FFD];
	_ =	sdelay $0x3  }
0x14: {  	_ =	strace s4  }
0x15: {  	_ =	strace $0x8FFFFFFF  }
0x16: {  	s20 =	sld [smem:$0x3FDB];
	_ =	sdelay $0x1  }
0x17: {  	s21 =	simm.s32 $_scs_section_size  }
0x18: {  	s6 =	simm.s32 $_size__tile_overlayer_lowered;
	s7 =	simm.s32 $_tile_overlayer_lowered  }
0x19: {  	s24 =	simm.s32 $0x1BFF;
	s23 =	sshll.u32 s7, $0x1;
	s4 =	sadd.s32 s21, s20  }
0x1a: {  	s8 =	simm.s32 $0x0;
	s22 =	sshll.u32 s6, $0x1;
	s6 =	sadd.s32 s23, s4  }
0x1b: {  	[timem:s8], [sflag:s24] =	dma.local [hbm:s6], s22  }
0x1c: {  	_ =	swait.ge [sflag:s24], s22  }
0x1d: {  	s5 =	ssub.s32 $0x0, s22;
	[sflag:s24] =	ssyncset.done $0x0  }
0x1e: {  	[sflag:s24] =	ssyncadd.s32 s5;
	_ =	sdelay $0x1  }
0x1f: {  	s25 =	simm.s32 $0x1B8B  }
0x20: {  	_ =	swait.ge [sflag:s25], $0x1  }
0x21: {  	[sflag:s25] =	ssyncset.done $0x0  }
0x22: {  	s26 =	simm.s32 $0x1B8E;
	[sflag:s25] =	ssyncadd.s32 $0xFFFFFFFF  }
0x23: {  	s27 =	simm.s32 $execute0_lowered;
	[smem:$0x3FD2] =	sst s26  }
0x24: {  	s5 =	sshll.u32 s27, $0x1;
	_ =	strace $0x80000046;
	[dreg:$0x1] =	wrdreg $0xFFFFFFFF  }
0x25: {  	s28 =	simm.s32 $_size_execute0_lowered;
	s4 =	sadd.s32 s4, s5;
	[dreg:$0x0] =	wrdreg $0x0  }
0x26: {  	s5 =	sshll.u32 s28, $0x1;
	[dreg:$0x2] =	wrdreg s4  }
0x27: {  	[dreg:$0x3] =	wrdreg s5  }
0x28: {  	[dreg:$0x4] =	wrdreg $0xC0  }
0x29: {  	_ =	task [dreg:s8], $0x5FFFF  }
0x2a: {  	[dreg:$0x1] =	wrdreg $0xFFFFFFFF  }
0x2b: {  	[dreg:$0x0] =	wrdreg $0x60  }
0x2c: {  	[dreg:$0x2] =	wrdreg s17  }
0x2d: {  	[dreg:$0x3] =	wrdreg s18  }
0x2e: {  	[dreg:$0x4] =	wrdreg $0x9  }
0x2f: {  	_ =	task.clear_ibuf [dreg:s8], $0x5FFFF;
	_ =	strace $0x90000046  }
0x30: {  	s29 =	simm.s32 $0x9;
	_ =	strace $0x80000048  }
0x31: {  	_ =	swait.ge [sflag:s29], $0x1  }
0x32: {  	[sflag:s29] =	ssyncadd.s32 $0xFFFFFFFF  }
0x33: {  	_ =	strace $0x90000048  }
0x34: {  	_ =	sfence  }
0x35: {  	s30 =	sld [smem:$0x0];
	_ =	sdelay $0x2  }
0x36: {  	s31 =	sshll.u32 s1, $0xD;
	s1 =	sshrl.u32 s1, $0x2  }
0x37: {  	s3 =	sand.u32 $0x4000, s31;
	s1 =	sadd.s32 s1, s30  }
0x38: {  	s0 =	sor.u32 s3, s0;
	s1 =	sshll.u32 s1, $0x11  }
0x39: {  	s0 =	sor.u32 s1, s0  }
0x3a: {  	s0 =	sadd.s32 $0x8F2B, s0  }
0x3b: {  	[sflag:s0] =	ssyncadd.remote.s32 $0x1  }
0x3c: {  	_ =	sfence.sel $0xFFFF  }
0x3d: {  	[dreg:$0x0] =	wrdreg $0xFFFFFFFF;
	(pc) =	sbr.abs _section_cstart, $3  }
0x3e: {  	[dreg:$0x1] =	wrdreg $0xFFFFFFFF  }
0x3f: {  	_ =	task.clear_ibuf [dreg:s8], $0x2FFFF;
	_ =	strace $0x9FFFFFFF  }
0x40: {  	(tm) =	ssettm $0x7FFFFFFF  }
0x41: {  	_ =	shalt  }
tec
execute0_lowered:
.L_overlay_start_1:
0x0: {  	(tag) =	ssettag $0x1  }
0x1: {  	s0 =	srdreg.scid  }
0x2: {  	s1 =	sshll.u32 s0, $0x4  }
0x3: {  	s2 =	rddreg [dreg:$0x0];
	s0 =	stileid.u32;
	s1 =	sand.u32 $0x10, s1  }
0x4: {  	s4 =	rddreg [dreg:$0x1];
	s1 =	sor.u32 s0, s1  }
0x5: {  	s7 =	simm.s32 $0x1;
	s8 =	simm.s32 $0x2;
	s3 =	sshll.u32 s1, $0x1  }
0x6: {  	s9 =	simm.s32 $0x0;
	s12 =	simm.s32 $0x0;
	s6 =	ssub.s32 $0x4E2, s3  }
.Ltmp0:
0x7: {  	s11 =	simm.s32 $0x0;
	s5 =	sand.u32 $0x3E, s6;
	(pc) =	sbr.rel .LBB1_1-.Ltmp0, $4  }
0x8: {  	s1 =	rddreg [dreg:$0x2];
	_ =	strace $0x80000047;
	p0 =	sne.s32 s5, $0x0  }
0x9: {  	s6 =	sshrl.u32 s6, $0x6;
	s5 =	simm.s32 $0x1;
	s7 =	simm.s32 @!p0 $0x0  }
0xa: {  	s10 =	smov.u32 s3;
	[sflag:s5] =	ssyncpa.u1 $0x0;
	s6 =	sadd.s32 s7, s6  }
0xb: {  	[sflag:s8] =	ssyncpa.u1 $0x0;
	s8 =	simm.s32 $0x0;
	s7 =	sadd.s32 $0x1, s6  }
.LBB1_9:
0xc: {  	s14 =	sadd.s32 $0x40, s10  }
0xd: {  	p1 =	sgt.s32 s14, $0x4E1  }
0xe: {  	s14 =	smov.u32 @p1 s3;
	p1 =	sne.s32 s11, s7  }
.Ltmp1:
0xf: {  	p0 =	slt.u32 s11, $0x2;
	(pc) =	sbr.rel @!p1 .LBB1_10-.Ltmp1, $4  }
0x10: {  	s13 =	simm.s32 @!p0 $0x2  }
0x11: {  	s15 =	sadd.s32 $0x1, s11;
	_ =	swait.ge @!p0 [sflag:s13], $0x4000  }
0x12: {  	s12 =	smov.u32 s10;
	s9 =	sadd.s32 $0x4000, s9;
	[sflag:s13] =	ssyncset.done @!p0 $0x0  }
0x13: {  	s11 =	smov.u32 s15;
	s10 =	smov.u32 s14;
	[sflag:s13] =	ssyncadd.s32 @!p0 $0xFFFFC000  }
.LBB1_1:
0x14: {  	p0 =	sge.u32 s11, s6  }
0x15: {  	s13 =	sxor.u32 @!p0 $0xFFFFFFFF, s11  }
0x16: {  	s31 =	sadd.s32 $0xFFFFFFFF, s11;
	s14 =	sshll.u32 @!p0 s10, $0xA;
	s13 =	sshll.u32 @!p0 s13, $0xE  }
0x17: {  	s15 =	simm.s32 @!p0 $0x0;
	s14 =	sadd.s32 @!p0 s2, s14;
	s13 =	sand.u32 @!p0 $0x4000, s13  }
0x18: {  	[tilespmem:s13], [sflag:$0x1] =	stream.linear.gather @!p0 [hbm4b:s14+s15], $0x4000, $0x38;
	[tilespmem:$0x10000] =	vst v63  }
0x19: {  	p0 =	sge.u32 s31, s6  }
.Ltmp2:
0x1a: {  	_ = 	snop;
	(pc) =	sbr.rel @p0 .LBB1_9-.Ltmp2, $1  }
0x1b: {  	_ =	sdelay $0x3  }
0x1c: {  	s13 =	sshll.u32 s9, $0x2  }
0x1d: {  	_ =	swait.ge [sflag:s5], $0x4000;
	s14 =	sshll.u32 s11, $0xE;
	s18 =	simm.s32 $0x0  }
0x1e: {  	p1 =	por $0x1, $0x1;
	s13 =	sand.u32 $0x10000, s13;
	[sflag:s5] =	ssyncset.done $0x0  }
0x1f: {  	s15 =	sand.u32 $0x4000, s14;
	s13 =	sshrl.u32 s13, $0x2;
	[sflag:s5] =	ssyncadd.s32 $0xFFFFC000  }
0x20: {  	s14 =	sor.u32 $0x8000, s15;
	s16 =	sor.u32 $0x8000, s13;
	s17 =	sadd.s32 $0x8400, s13  }
.LBB1_3:
0x21: {  	s19 =	sshll.u32 s18, $0x2  }
0x22: {  	s19 =	sshrl.u32 s19, $0x2  }
0x23: {  	v0 =	vmov s19;
	_ =	sdelay $0x2  }
0x24: {  	p0 =	por p1, p1;
	p1 =	por $0x0, $0x0;
	s20 =	simm.s32 $0x0  }
0x25: {  	s21 =	smov.u32 s13;
	s22 =	simm.s32 $0x0;
	s19 =	smov.u32 s16  }
.LBB1_4:
0x26: {  	_ =	sdelay $0x3  }
0x27: {  	v2 =	vld.idx.msk [tilespmem:v0+s21+$0x10 ss:$0x1], $0xffff  }
0x28: {  	v3 =	vld.idx.msk [tilespmem:v0+s21+$0x270 ss:$0x1], $0xffff  }
0x29: {  	s23 =	sshll.u32 s22, $0xA;
	v5 =	vld.idx.msk [tilespmem:v0+s21+$0x20 ss:$0x1], $0xffff  }
0x2a: {  	v8 =	vld.idx.msk [tilespmem:v0+s21+$0x30 ss:$0x1], $0xffff;
	s23 =	sadd.s32 s18, s23  }
0x2b: {  	v9 =	vld.idx.msk [tilespmem:v0+s21+$0x40 ss:$0x1], $0xffff;
	v1 =	vmov s23  }
0x2c: {  	s30 =	simm.s32 $0x0;
	v10 =	vld.idx.msk [tilespmem:v0+s21+$0x50 ss:$0x1], $0xffff  }
0x2d: {  	v11 =	vld.idx.msk [tilespmem:v0+s21+$0x60 ss:$0x1], $0xffff;
	s24 =	sand.u32 $0x100, s30  }
0x2e: {  	v12 =	vld.idx.msk [tilespmem:v0+s21+$0x70 ss:$0x1], $0xffff;
	s23 =	sand.u32 $0x80, s30;
	s24 =	sadd.s32 s24, s15;
	[tilespmem:v0+s19+$0x470 ss:$0x1] =	vst.idx.msk $0xffff, v3  }
0x2f: {  	v7 =	vld.idx.msk [tilespmem:v0+s21+$0x210 ss:$0x1], $0xffff;
	s23 =	sadd.s32 s23, s24;
	s24 =	simm.s32 $0x1;
	[tilespmem:v0+s19+$0x10 ss:$0x1] =	vst.idx.msk $0xffff, v2  }
0x30: {  	s31 =	sshll.u32 s20, $0x2;
	s24 =	simm.s32 @!p1 $0x0;
	[tilespmem:v0+s19+$0x20 ss:$0x1] =	vst.idx.msk $0xffff, v5;
	v4 =	vld.idx.msk [tilespmem:v1+s23+$0x200 ss:$0x1], $0xffff  }
0x31: {  	v6 =	vld.idx.msk [tilespmem:v0+s21+$0x220 ss:$0x1], $0xffff;
	s24 =	sshll.u32 s24, $0x9;
	[tilespmem:v0+s19+$0x30 ss:$0x1] =	vst.idx.msk $0xffff, v8;
	s23 =	sand.u32 $0xFFFFFC00, s31  }
0x32: {  	v3 =	vld.idx.msk [tilespmem:v0+s21+$0x230 ss:$0x1], $0xffff;
	[tilespmem:v0+s19+$0x40 ss:$0x1] =	vst.idx.msk $0xffff, v9;
	s23 =	sor.u32 s24, s23  }
0x33: {  	[tilespmem:v0+s19+$0x50 ss:$0x1] =	vst.idx.msk $0xffff, v10;
	v5 =	vld.idx.msk [tilespmem:v0+s21+$0x250 ss:$0x1], $0xffff;
	s23 =	sshrl.u32 s23, $0x2  }
0x34: {  	[tilespmem:v0+s19+$0x60 ss:$0x1] =	vst.idx.msk $0xffff, v11;
	v2 =	vld.idx.msk [tilespmem:v0+s21+$0x260 ss:$0x1], $0xffff;
	s23 =	sadd.s32 s23, s17  }
0x35: {  	s27 =	simm.s32 $0x80;
	s26 =	simm.s32 $0x100;
	[tilespmem:v0+s23+$0x0 ss:$0x1] =	vst.idx.msk $0xffff, v4;
	v4 =	vld.idx.msk [tilespmem:v0+s21+$0x240 ss:$0x1], $0xffff  }
0x36: {  	s25 =	smov.u32 s19;
	s28 =	sand.u32 $0x100, s27;
	v8 =	vld.idx.msk [tilespmem:v0+s21+$0x0 ss:$0x1], $0xffff;
	[tilespmem:v0+s19+$0x70 ss:$0x1] =	vst.idx.msk $0xffff, v12;
	s24 =	sadd.s32 $0x80, s21  }
.LBB1_5:
0x37: {  	p2 =	sne.s32 s26, $0x180;
	v9 =	vld.idx.msk [tilespmem:v0+s24+$0x10 ss:$0x1], $0xffff;
	s27 =	sand.u32 $0x80, s27;
	s28 =	sadd.s32 s28, s15;
	[tilespmem:v0+s25+$0x410 ss:$0x1] =	vst.idx.msk $0xffff, v7  }
0x38: {  	s28 =	sadd.s32 s27, s28;
	v7 =	vld.idx.msk [tilespmem:v0+s24+$0x270 ss:$0x1], $0xffff;
	[tilespmem:v0+s25+$0x420 ss:$0x1] =	vst.idx.msk $0xffff, v6;
	s27 =	smov.u32 s26  }
0x39: {  	v6 =	vld.idx.msk [tilespmem:v1+s28+$0x200 ss:$0x1], $0xffff;
	[tilespmem:v0+s25+$0x430 ss:$0x1] =	vst.idx.msk $0xffff, v3  }
0x3a: {  	v3 =	vld.idx.msk [tilespmem:v0+s24+$0x20 ss:$0x1], $0xffff;
	[tilespmem:v0+s25+$0x440 ss:$0x1] =	vst.idx.msk $0xffff, v4  }
0x3b: {  	v4 =	vld.idx.msk [tilespmem:v0+s24+$0x30 ss:$0x1], $0xffff;
	[tilespmem:v0+s25+$0x450 ss:$0x1] =	vst.idx.msk $0xffff, v5  }
0x3c: {  	v5 =	vld.idx.msk [tilespmem:v0+s24+$0x40 ss:$0x1], $0xffff;
	[tilespmem:v0+s25+$0x0 ss:$0x1] =	vst.idx.msk $0xffff, v8  }
0x3d: {  	v8 =	vld.idx.msk [tilespmem:v0+s24+$0x50 ss:$0x1], $0xffff;
	[tilespmem:v0+s25+$0x460 ss:$0x1] =	vst.idx.msk $0xffff, v2;
	s25 =	sadd.s32 $0x800, s25  }
0x3e: {  	s23 =	sadd.s32 $0x800, s23;
	v2 =	vld.idx.msk [tilespmem:v0+s24+$0x60 ss:$0x1], $0xffff;
	[tilespmem:v0+s25+$0x470 ss:$0x1] =	vst.idx.msk $0xffff, v7  }
0x3f: {  	v10 =	vld.idx.msk [tilespmem:v0+s24+$0x70 ss:$0x1], $0xffff;
	[tilespmem:v0+s23+$0x0 ss:$0x1] =	vst.idx.msk $0xffff, v6  }
0x40: {  	[tilespmem:v0+s25+$0x10 ss:$0x1] =	vst.idx.msk $0xffff, v9;
	v7 =	vld.idx.msk [tilespmem:v0+s24+$0x210 ss:$0x1], $0xffff  }
0x41: {  	[tilespmem:v0+s25+$0x20 ss:$0x1] =	vst.idx.msk $0xffff, v3;
	v6 =	vld.idx.msk [tilespmem:v0+s24+$0x220 ss:$0x1], $0xffff  }
.Ltmp3:
0x42: {  	[tilespmem:v0+s25+$0x30 ss:$0x1] =	vst.idx.msk $0xffff, v4;
	v3 =	vld.idx.msk [tilespmem:v0+s24+$0x230 ss:$0x1], $0xffff;
	(pc) =	sbr.rel @p2 .LBB1_5-.Ltmp3, $4  }
0x43: {  	[tilespmem:v0+s25+$0x40 ss:$0x1] =	vst.idx.msk $0xffff, v5;
	v4 =	vld.idx.msk [tilespmem:v0+s24+$0x240 ss:$0x1], $0xffff  }
0x44: {  	[tilespmem:v0+s25+$0x50 ss:$0x1] =	vst.idx.msk $0xffff, v8;
	v5 =	vld.idx.msk [tilespmem:v0+s24+$0x250 ss:$0x1], $0xffff  }
0x45: {  	[tilespmem:v0+s25+$0x60 ss:$0x1] =	vst.idx.msk $0xffff, v2;
	v2 =	vld.idx.msk [tilespmem:v0+s24+$0x260 ss:$0x1], $0xffff  }
0x46: {  	s26 =	sadd.s32 $0x80, s26;
	s28 =	sand.u32 $0x100, s27;
	v8 =	vld.idx.msk [tilespmem:v0+s24+$0x0 ss:$0x1], $0xffff;
	[tilespmem:v0+s25+$0x70 ss:$0x1] =	vst.idx.msk $0xffff, v10;
	s24 =	sadd.s32 $0x80, s24  }
0x47: {  	_ =	sdelay $0x3  }
0x48: {  	[tilespmem:v0+s25+$0x410 ss:$0x1] =	vst.idx.msk $0xffff, v7  }
0x49: {  	[tilespmem:v0+s25+$0x420 ss:$0x1] =	vst.idx.msk $0xffff, v6  }
0x4a: {  	v56 =	vld.idx.msk [tilespmem:v0+s24+$0x270 ss:$0x1], $0xffff;
	[tilespmem:v0+s25+$0x430 ss:$0x1] =	vst.idx.msk $0xffff, v3  }
0x4b: {  	v3 =	vld.idx.msk [tilespmem:v0+s24+$0x10 ss:$0x1], $0xffff;
	[tilespmem:v0+s25+$0x440 ss:$0x1] =	vst.idx.msk $0xffff, v4  }
0x4c: {  	v57 =	vld.idx.msk [tilespmem:v0+s24+$0x20 ss:$0x1], $0xffff;
	[tilespmem:v0+s25+$0x450 ss:$0x1] =	vst.idx.msk $0xffff, v5  }
0x4d: {  	s26 =	sand.u32 $0x80, s27;
	s30 =	sadd.s32 s28, s15;
	v58 =	vld.idx.msk [tilespmem:v0+s24+$0x30 ss:$0x1], $0xffff;
	[tilespmem:v0+s25+$0x460 ss:$0x1] =	vst.idx.msk $0xffff, v2  }
0x4e: {  	s31 =	sadd.s32 $0x800, s25;
	v59 =	vld.idx.msk [tilespmem:v0+s24+$0x50 ss:$0x1], $0xffff;
	s26 =	sadd.s32 s26, s30;
	[tilespmem:v0+s25+$0x0 ss:$0x1] =	vst.idx.msk $0xffff, v8  }
0x4f: {  	v1 =	vld.idx.msk [tilespmem:v1+s26+$0x200 ss:$0x1], $0xffff;
	[tilespmem:v0+s31+$0x470 ss:$0x1] =	vst.idx.msk $0xffff, v56  }
0x50: {  	v60 =	vld.idx.msk [tilespmem:v0+s24+$0x210 ss:$0x1], $0xffff;
	[tilespmem:v0+s31+$0x10 ss:$0x1] =	vst.idx.msk $0xffff, v3  }
0x51: {  	v61 =	vld.idx.msk [tilespmem:v0+s24+$0x220 ss:$0x1], $0xffff;
	[tilespmem:v0+s31+$0x20 ss:$0x1] =	vst.idx.msk $0xffff, v57  }
0x52: {  	v2 =	vld.idx.msk [tilespmem:v0+s24+$0x40 ss:$0x1], $0xffff;
	[tilespmem:v0+s31+$0x30 ss:$0x1] =	vst.idx.msk $0xffff, v58  }
0x53: {  	s23 =	sadd.s32 $0x800, s23;
	v3 =	vld.idx.msk [tilespmem:v0+s24+$0x70 ss:$0x1], $0xffff;
	[tilespmem:v0+s31+$0x50 ss:$0x1] =	vst.idx.msk $0xffff, v59  }
0x54: {  	[tilespmem:v0+s23+$0x0 ss:$0x1] =	vst.idx.msk $0xffff, v1;
	v1 =	vld.idx.msk [tilespmem:v0+s24+$0x60 ss:$0x1], $0xffff  }
0x55: {  	v62 =	vld.idx.msk [tilespmem:v0+s24+$0x240 ss:$0x1], $0xffff;
	[tilespmem:v0+s31+$0x410 ss:$0x1] =	vst.idx.msk $0xffff, v60  }
0x56: {  	v63 =	vld.idx.msk [tilespmem:v0+s24+$0x260 ss:$0x1], $0xffff;
	[tilespmem:v0+s31+$0x420 ss:$0x1] =	vst.idx.msk $0xffff, v61  }
0x57: {  	[tilespmem:v0+s31+$0x40 ss:$0x1] =	vst.idx.msk $0xffff, v2;
	v2 =	vld.idx.msk [tilespmem:v0+s24+$0x230 ss:$0x1], $0xffff  }
0x58: {  	s22 =	sadd.s32 $0x1, s22;
	[tilespmem:v0+s31+$0x70 ss:$0x1] =	vst.idx.msk $0xffff, v3;
	v3 =	vld.idx.msk [tilespmem:v0+s24+$0x0 ss:$0x1], $0xffff  }
0x59: {  	p2 =	sne.s32 s22, $0x8;
	[tilespmem:v0+s31+$0x60 ss:$0x1] =	vst.idx.msk $0xffff, v1;
	v1 =	vld.idx.msk [tilespmem:v0+s24+$0x250 ss:$0x1], $0xffff  }
.Ltmp4:
0x5a: {  	[tilespmem:v0+s31+$0x440 ss:$0x1] =	vst.idx.msk $0xffff, v62;
	(pc) =	sbr.rel @p2 .LBB1_4-.Ltmp4, $4  }
0x5b: {  	[tilespmem:v0+s31+$0x460 ss:$0x1] =	vst.idx.msk $0xffff, v63  }
0x5c: {  	[tilespmem:v0+s31+$0x430 ss:$0x1] =	vst.idx.msk $0xffff, v2  }
0x5d: {  	s21 =	sadd.s32 $0x400, s21;
	[tilespmem:v0+s31+$0x0 ss:$0x1] =	vst.idx.msk $0xffff, v3  }
0x5e: {  	s20 =	sadd.s32 $0x80, s20;
	p1 =	por !p1, !p1;
	s19 =	sadd.s32 $0x80, s19;
	[tilespmem:v0+s31+$0x450 ss:$0x1] =	vst.idx.msk $0xffff, v1  }
.Ltmp5:
0x5f: {  	(pc) =	sbr.rel @p0 .LBB1_3-.Ltmp5, $2  }
0x60: {  	_ =	sdelay $0x2  }
0x61: {  	s18 =	simm.s32 $0x2000;
	p1 =	por $0x0, $0x0  }
.Ltmp6:
0x62: {  	(pc) =	sbr.rel .LBB1_9-.Ltmp6, $4  }
0x63: {  	_ = 	snop  }
0x64: {  	s12 =	sshll.u32 s12, $0xA  }
0x65: {  	s12 =	sadd.s32 s4, s12  }
0x66: {  	[hbm4b:s12+s8] =	stream.linear.scatter [tilespmem:s14], [sflag:$0x2], $0x4000, $0x38;
	[tilespmem:$0x10000] =	vst v63  }
.LBB1_10:
0x67: {  	_ =	sfence.sel $0x180000  }
0x68: {  	s2 =	simm.s32 $0x1;
	[bflag:$0x0] =	sbarrier.arrive $0xFFFF  }
0x69: {  	s31 =	simm.s32 $0x2;
	[sflag:s2] =	ssyncpa.u1 $0x1  }
0x6a: {  	[sflag:s31] =	ssyncpa.u1 $0x1  }
0x6b: {  	p0 =	sne.s32 s0, $0x0;
	_ =	strace $0x90000047  }
0x6c: {  	s0 =	sadd.s32 @!p0 $0x100000, s1;
	[bflag:$0x2] =	sbarrier.arrive $0xFFFF  }
0x6d: {  	[sflag:s0] =	ssyncadd.tile.s32 @!p0 $0x1;
	_ =	shalt  }
.Lfunc_end1:
_tile_overlayer_lowered:
.L_overlay_start_2:
0x6e: {  	(tag) =	ssettag $0x2  }
0x6f: {  	s0 =	rddreg [dreg:$0x0];
	s2 =	stileid.u32  }
0x70: {  	s1 =	rddreg [dreg:$0x1];
	p0 =	sne.s32 s2, $0x0  }
0x71: {  	s3 =	rddreg [dreg:$0x2];
	[bflag:$0x3] =	sbarrier.arrive $0xFFFF;
	s2 =	simm.s32 @!p0 $0x1C01  }
0x72: {  	[timem:s3], [sflag:s2] =	dma.local @!p0 [hbm:s0], s1  }
0x73: {  	s0 =	simm.s32 @!p0 $0x1  }
0x74: {  	_ =	swait.ge @!p0 [sflag:s0], s1  }
0x75: {  	s1 =	ssub.s32 @!p0 $0x0, s1;
	[sflag:s0] =	ssyncset.done @!p0 $0x0  }
0x76: {  	[sflag:s0] =	ssyncadd.s32 @!p0 s1  }
0x77: {  	[bflag:$0x3] =	sbarrier.arrive $0xFFFF  }
0x78: {  	_ =	shalt  }

</sc_bundles>
